<compile_context>
chip_gen: v7x
topology: tpu7x:2x2x1
jax: 0.10.2.dev20260603
libtpu: 0.0.44.dev20260713+nightly
codegen_flags: <defaults>
</compile_context>

<pallas_src>
import functools

import jax
import jax.numpy as jnp
from jax import lax
from jax.experimental import pallas as pl
from jax.experimental.pallas import tpu as pltpu
from jax.experimental.pallas import tpu_sc as plsc

N_NODES = 10000
D = 128
NP = 10240
PAD_NODE = N_NODES
CH = 128
NW = 32
EW = 79 * CH
EP = EW * NW
NCH_W = EW // CH
EPT_DEG = EP // 16
NCH_DEG = EPT_DEG // CH
ROWS_PT = NP // 16

_mesh = plsc.VectorSubcoreMesh(core_axis_name="c", subcore_axis_name="s")


@functools.partial(
    pl.kernel,
    mesh=_mesh,
    out_type=jax.ShapeDtypeStruct((NP,), jnp.float32),
    scratch_types=[
        pltpu.VMEM((CH,), jnp.int32),
        pltpu.VMEM((CH,), jnp.float32),
        pltpu.VMEM_SHARED((NP,), jnp.float32),
    ],
)
def _deg_kernel(dst_hbm, ones_hbm, zeros_hbm, out_hbm, dst_v, ones_v, acc):
    s = lax.axis_index("s")
    pltpu.sync_copy(ones_hbm, ones_v)
    pltpu.sync_copy(
        zeros_hbm.at[pl.ds(s * ROWS_PT, ROWS_PT)],
        acc.at[pl.ds(s * ROWS_PT, ROWS_PT)],
    )
    plsc.subcore_barrier()
    base = s * EPT_DEG

    def body(i, carry):
        pltpu.sync_copy(dst_hbm.at[pl.ds(base + i * CH, CH)], dst_v)
        pltpu.sync_copy(ones_v, acc.at[dst_v], add=True)
        return carry

    lax.fori_loop(0, NCH_DEG, body, 0)
    plsc.subcore_barrier()
    pltpu.sync_copy(
        acc.at[pl.ds(s * ROWS_PT, ROWS_PT)],
        out_hbm.at[pl.ds(s * ROWS_PT, ROWS_PT)],
    )


@functools.partial(
    pl.kernel,
    mesh=_mesh,
    out_type=jax.ShapeDtypeStruct((2 * NP, D), jnp.float32),
    scratch_types=[
        pltpu.VMEM((CH,), jnp.int32),
        pltpu.VMEM((CH,), jnp.int32),
        pltpu.VMEM((CH, D), jnp.float32),
        pltpu.VMEM_SHARED((NP, D), jnp.float32),
        pltpu.SemaphoreType.DMA,
    ],
)
def _agg_kernel(src_hbm, dst_hbm, g_hbm, zeros_hbm, out_hbm,
                src_v, dst_v, rows_v, acc, sem):
    c = lax.axis_index("c")
    s = lax.axis_index("s")
    wid = s * 2 + c
    pltpu.sync_copy(
        zeros_hbm.at[pl.ds(s * ROWS_PT, ROWS_PT)],
        acc.at[pl.ds(s * ROWS_PT, ROWS_PT)],
    )
    plsc.subcore_barrier()
    base = wid * EW

    def body(i, carry):
        off = base + i * CH
        pltpu.sync_copy(src_hbm.at[pl.ds(off, CH)], src_v)
        pltpu.sync_copy(dst_hbm.at[pl.ds(off, CH)], dst_v)
        pltpu.async_copy(g_hbm.at[src_v], rows_v, sem).wait()
        pltpu.sync_copy(rows_v, acc.at[dst_v], add=True)
        return carry

    lax.fori_loop(0, NCH_W, body, 0)
    plsc.subcore_barrier()
    pltpu.sync_copy(
        acc.at[pl.ds(s * ROWS_PT, ROWS_PT)],
        out_hbm.at[pl.ds(c * NP + s * ROWS_PT, ROWS_PT)],
    )


RB = 1280
GRID = NP // RB


def _mm_scale_body(x_ref, w_ref, deg_ref, h_ref, g_ref, dinv_ref):
    di = lax.rsqrt(deg_ref[...] + 1.0)
    h = jnp.dot(x_ref[...], w_ref[...], preferred_element_type=jnp.float32)
    h_ref[...] = h
    g_ref[...] = h * di
    dinv_ref[...] = di


_mm_scale = pl.pallas_call(
    _mm_scale_body,
    grid=(GRID,),
    in_specs=[
        pl.BlockSpec((RB, D), lambda i: (i, 0)),
        pl.BlockSpec((D, D), lambda i: (0, 0)),
        pl.BlockSpec((RB, 1), lambda i: (i, 0)),
    ],
    out_specs=[
        pl.BlockSpec((RB, D), lambda i: (i, 0)),
        pl.BlockSpec((RB, D), lambda i: (i, 0)),
        pl.BlockSpec((RB, 1), lambda i: (i, 0)),
    ],
    out_shape=[
        jax.ShapeDtypeStruct((NP, D), jnp.float32),
        jax.ShapeDtypeStruct((NP, D), jnp.float32),
        jax.ShapeDtypeStruct((NP, 1), jnp.float32),
    ],
)


def _mid_body(agg_ref, h1_ref, dinv_ref, b1_ref, w2_ref, h2_ref, g2_ref):
    di = dinv_ref[...]
    a = agg_ref[0] + agg_ref[1]
    z = jnp.maximum(di * a + (di * di) * h1_ref[...] + b1_ref[...], 0.0)
    h2 = jnp.dot(z, w2_ref[...], preferred_element_type=jnp.float32)
    h2_ref[...] = h2
    g2_ref[...] = h2 * di


_mid = pl.pallas_call(
    _mid_body,
    grid=(GRID,),
    in_specs=[
        pl.BlockSpec((2, RB, D), lambda i: (0, i, 0)),
        pl.BlockSpec((RB, D), lambda i: (i, 0)),
        pl.BlockSpec((RB, 1), lambda i: (i, 0)),
        pl.BlockSpec((1, D), lambda i: (0, 0)),
        pl.BlockSpec((D, D), lambda i: (0, 0)),
    ],
    out_specs=[
        pl.BlockSpec((RB, D), lambda i: (i, 0)),
        pl.BlockSpec((RB, D), lambda i: (i, 0)),
    ],
    out_shape=[
        jax.ShapeDtypeStruct((NP, D), jnp.float32),
        jax.ShapeDtypeStruct((NP, D), jnp.float32),
    ],
)


def _fin_body(agg_ref, h2_ref, dinv_ref, b2_ref, out_ref):
    di = dinv_ref[...]
    a = agg_ref[0] + agg_ref[1]
    out_ref[...] = di * a + (di * di) * h2_ref[...] + b2_ref[...]


_fin = pl.pallas_call(
    _fin_body,
    grid=(GRID,),
    in_specs=[
        pl.BlockSpec((2, RB, D), lambda i: (0, i, 0)),
        pl.BlockSpec((RB, D), lambda i: (i, 0)),
        pl.BlockSpec((RB, 1), lambda i: (i, 0)),
        pl.BlockSpec((1, D), lambda i: (0, 0)),
    ],
    out_specs=pl.BlockSpec((RB, D), lambda i: (i, 0)),
    out_shape=jax.ShapeDtypeStruct((NP, D), jnp.float32),
)


def kernel(x, edge_index, W1, b1, W2, b2):
    x = x.astype(jnp.float32)
    ei = edge_index.astype(jnp.int32)
    n_edges = ei.shape[1]
    pad_ids = jnp.full((EP - n_edges,), PAD_NODE, dtype=jnp.int32)
    src = jnp.concatenate([ei[0], pad_ids])
    dst = jnp.concatenate([ei[1], pad_ids])
    xp = jnp.concatenate(
        [x, jnp.zeros((NP - N_NODES, D), jnp.float32)], axis=0)
    zeros_nd = jnp.zeros((NP, D), jnp.float32)
    zeros_n = jnp.zeros((NP,), jnp.float32)
    ones_ch = jnp.ones((CH,), jnp.float32)

    deg = _deg_kernel(dst, ones_ch, zeros_n)
    h1, g1, dinv = _mm_scale(xp, W1, deg.reshape(NP, 1))
    agg1 = _agg_kernel(src, dst, g1, zeros_nd).reshape(2, NP, D)
    h2, g2 = _mid(agg1, h1, dinv, b1.reshape(1, D), W2)
    agg2 = _agg_kernel(src, dst, g2, zeros_nd).reshape(2, NP, D)
    out = _fin(agg2, h2, dinv, b2.reshape(1, D))
    return out[:N_NODES]

# --- scband reference (transcript-rebuilt; emitter-appended) ---
"""Pipeline reference for scband-gcnencoder-2448131358806 (READ-ONLY COPY).

The authoritative reference and input builder live on the scoring server;
editing this copy changes nothing except your own understanding.
"""

import jax, jax.numpy as jnp
import numpy as np

N_NODES = 10000
D_IN = 128
D_HID = 128
D_OUT = 128
N_EDGES = 320000


def gcn_conv(x, edge_index, W, b):
    n = x.shape[0]
    src = edge_index[0]
    dst = edge_index[1]
    # add self loops
    loop = jnp.arange(n, dtype=edge_index.dtype)
    src = jnp.concatenate([src, loop])
    dst = jnp.concatenate([dst, loop])
    # symmetric normalization D^{-1/2} (A+I) D^{-1/2}
    deg = jnp.zeros((n,), dtype=x.dtype).at[dst].add(1.0)
    dinv = jnp.where(deg > 0, jax.lax.rsqrt(deg), 0.0)
    norm = dinv[src] * dinv[dst]
    h = x @ W
    msg = h[src] * norm[:, None]
    out = jnp.zeros((n, W.shape[1]), dtype=x.dtype).at[dst].add(msg)
    return out + b


def setup_inputs(seed: int = 0) -> dict:
    key = jax.random.key(seed)
    k1, k2, k3, k4, k5, k6 = jax.random.split(key, 6)
    x = jax.random.normal(k1, (N_NODES, D_IN), dtype=jnp.float32)
    edge_index = jax.random.randint(k2, (2, N_EDGES), 0, N_NODES, dtype=jnp.int64)
    W1 = jax.random.normal(k3, (D_IN, D_HID), dtype=jnp.float32) * (1.0 / np.sqrt(D_IN))
    b1 = jnp.zeros((D_HID,), dtype=jnp.float32)
    W2 = jax.random.normal(k4, (D_HID, D_OUT), dtype=jnp.float32) * (1.0 / np.sqrt(D_HID))
    b2 = jnp.zeros((D_OUT,), dtype=jnp.float32)
    return {"x": x, "edge_index": edge_index, "W1": W1, "b1": b1, "W2": W2, "b2": b2}


def reference(x, edge_index, W1, b1, W2, b2):
    h = gcn_conv(x, edge_index, W1, b1)
    h = jax.nn.relu(h)
    # dropout p=0.0 -> identity in eval/reference
    out = gcn_conv(h, edge_index, W2, b2)
    return out

if __name__ == "__main__":
    import jax
    _d = setup_inputs()
    print(jax.jit(kernel)(*tuple(_d.values())))

</pallas_src>

<mosaic_0001>
#map = affine_map<(d0, d1) -> (0)>
#map1 = affine_map<(d0, d1) -> (0, 0)>
module attributes {stable_mosaic.version = 14 : i64} {
  func.func @_agg_kernel(%arg0: i32, %arg1: i32, %arg2: memref<323584xi32, #tpu.memory_space<hbm>>, %arg3: memref<323584xi32, #tpu.memory_space<hbm>>, %arg4: memref<10240x128xf32, #tpu.memory_space<hbm>>, %arg5: memref<10240x128xf32, #tpu.memory_space<hbm>>, %arg6: memref<20480x128xf32, #tpu.memory_space<hbm>>, %arg7: memref<128xi32, #tpu.memory_space<vmem>>, %arg8: memref<128xi32, #tpu.memory_space<vmem>>, %arg9: memref<128x128xf32, #tpu.memory_space<vmem>>, %arg10: memref<10240x128xf32, #tpu.memory_space<vmem_shared>>, %arg11: memref<!tpu.dma_semaphore, #tpu.memory_space<semaphore_mem>>) attributes {dimension_semantics = [#tpu.dimension_semantics<core_parallel>, #tpu.dimension_semantics<subcore_parallel>], iteration_bounds = array<i64: 2, 16>, scalar_prefetch = 0 : i64, scratch_operands = 5 : i64, tpu.core_type = #tpu.core_type<sc_vector_subcore>, window_params = [{transform_indices = #map}, {transform_indices = #map}, {transform_indices = #map1}, {transform_indices = #map1}, {transform_indices = #map1}]} {
    %mul3A = arith.constant 2 : i32
    %mul3A_0 = arith.muli %arg1, %mul3A : i32
    %add3A = arith.addi %mul3A_0, %arg0 : i32
    %mul3A_1 = arith.constant 640 : i32
    %mul3A_2 = arith.muli %arg1, %mul3A_1 : i32
    %mul3A_3 = arith.constant 640 : i32
    %mul3A_4 = arith.muli %arg1, %mul3A_3 : i32
    "tpu.region"() ({
      %run_scoped3A = tpu.sem_alloc : memref<!tpu.dma_semaphore, #tpu.memory_space<semaphore_mem>>
      %dma_start3A = arith.constant 0 : i32
      %dma_start3A_20 = tpu.memref_slice %arg10[%mul3A_4, %dma_start3A] : memref<10240x128xf32, #tpu.memory_space<vmem_shared>> -> memref<640x128xf32, #tpu.memory_space<vmem_shared>>
      %dma_start3A_21 = arith.constant 0 : i32
      %dma_start3A_22 = tpu.memref_slice %arg5[%mul3A_2, %dma_start3A_21] : memref<10240x128xf32, #tpu.memory_space<hbm>> -> memref<640x128xf32, #tpu.memory_space<hbm>>
      tpu.enqueue_dma source(%dma_start3A_22 : memref<640x128xf32, #tpu.memory_space<hbm>>) target(%dma_start3A_20 : memref<640x128xf32, #tpu.memory_space<vmem_shared>>) target_semaphore(%run_scoped3A : memref<!tpu.dma_semaphore, #tpu.memory_space<semaphore_mem>>)
      %dma_wait3A = arith.constant 0 : i32
      %dma_wait3A_23 = tpu.memref_slice %arg10[%mul3A_4, %dma_wait3A] : memref<10240x128xf32, #tpu.memory_space<vmem_shared>> -> memref<640x128xf32, #tpu.memory_space<vmem_shared>>
      %dma_wait3A_24 = arith.constant 0 : i32
      %dma_wait3A_25 = tpu.memref_slice %arg5[%mul3A_2, %dma_wait3A_24] : memref<10240x128xf32, #tpu.memory_space<hbm>> -> memref<640x128xf32, #tpu.memory_space<hbm>>
      tpu.wait_dma2 semaphore(%run_scoped3A : memref<!tpu.dma_semaphore, #tpu.memory_space<semaphore_mem>>) src(%dma_wait3A_25 : memref<640x128xf32, #tpu.memory_space<hbm>>) dst(%dma_wait3A_23 : memref<640x128xf32, #tpu.memory_space<vmem_shared>>)
      tpu.yield
    }) : () -> ()
    %barrier3A = arith.constant 0 : index
    tpu.barrier barrier_id(%barrier3A)
    %mul3A_5 = arith.constant 10112 : i32
    %mul3A_6 = arith.muli %add3A, %mul3A_5 : i32
    %scan3A = arith.constant 0 : i32
    %scan3A_7 = arith.constant 0 : i32
    %scan3A_8 = arith.constant 79 : i32
    %scan3A_9 = arith.addi %scan3A_7, %scan3A_8 : i32
    %scan3A_10 = arith.constant 1 : i32
    scf.for %scan3A_20 = %scan3A_7 to %scan3A_9 step %scan3A_10  : i32 {
      %mul3A_21 = arith.constant 128 : i32
      %mul3A_22 = arith.muli %scan3A_20, %mul3A_21 : i32
      %add3A_23 = arith.addi %mul3A_6, %mul3A_22 : i32
      "tpu.region"() ({
        %run_scoped3A = tpu.sem_alloc : memref<!tpu.dma_semaphore, #tpu.memory_space<semaphore_mem>>
        %dma_start3A_28 = tpu.memref_slice %arg2[%add3A_23] : memref<323584xi32, #tpu.memory_space<hbm>> -> memref<128xi32, #tpu.memory_space<hbm>>
        %dma_start3A_29 = tpu.memref_slice %arg2[%add3A_23] : memref<323584xi32, #tpu.memory_space<hbm>> -> memref<128xi32, #tpu.memory_space<hbm>>
        tpu.enqueue_dma source(%dma_start3A_29 : memref<128xi32, #tpu.memory_space<hbm>>) target(%arg7 : memref<128xi32, #tpu.memory_space<vmem>>) target_semaphore(%run_scoped3A : memref<!tpu.dma_semaphore, #tpu.memory_space<semaphore_mem>>)
        %dma_wait3A_30 = tpu.memref_slice %arg2[%add3A_23] : memref<323584xi32, #tpu.memory_space<hbm>> -> memref<128xi32, #tpu.memory_space<hbm>>
        %dma_wait3A_31 = tpu.memref_slice %arg2[%add3A_23] : memref<323584xi32, #tpu.memory_space<hbm>> -> memref<128xi32, #tpu.memory_space<hbm>>
        tpu.wait_dma2 semaphore(%run_scoped3A : memref<!tpu.dma_semaphore, #tpu.memory_space<semaphore_mem>>) src(%dma_wait3A_31 : memref<128xi32, #tpu.memory_space<hbm>>) dst(%arg7 : memref<128xi32, #tpu.memory_space<vmem>>)
        tpu.yield
      }) : () -> ()
      "tpu.region"() ({
        %run_scoped3A = tpu.sem_alloc : memref<!tpu.dma_semaphore, #tpu.memory_space<semaphore_mem>>
        %dma_start3A_28 = tpu.memref_slice %arg3[%add3A_23] : memref<323584xi32, #tpu.memory_space<hbm>> -> memref<128xi32, #tpu.memory_space<hbm>>
        %dma_start3A_29 = tpu.memref_slice %arg3[%add3A_23] : memref<323584xi32, #tpu.memory_space<hbm>> -> memref<128xi32, #tpu.memory_space<hbm>>
        tpu.enqueue_dma source(%dma_start3A_29 : memref<128xi32, #tpu.memory_space<hbm>>) target(%arg8 : memref<128xi32, #tpu.memory_space<vmem>>) target_semaphore(%run_scoped3A : memref<!tpu.dma_semaphore, #tpu.memory_space<semaphore_mem>>)
        %dma_wait3A_30 = tpu.memref_slice %arg3[%add3A_23] : memref<323584xi32, #tpu.memory_space<hbm>> -> memref<128xi32, #tpu.memory_space<hbm>>
        %dma_wait3A_31 = tpu.memref_slice %arg3[%add3A_23] : memref<323584xi32, #tpu.memory_space<hbm>> -> memref<128xi32, #tpu.memory_space<hbm>>
        tpu.wait_dma2 semaphore(%run_scoped3A : memref<!tpu.dma_semaphore, #tpu.memory_space<semaphore_mem>>) src(%dma_wait3A_31 : memref<128xi32, #tpu.memory_space<hbm>>) dst(%arg8 : memref<128xi32, #tpu.memory_space<vmem>>)
        tpu.yield
      }) : () -> ()
      %dma_start3A = arith.constant 0 : i32
      %dma_start3A_24 = arith.constant 0 : i32
      %dma_start3A_25 = tpu.memref_slice %arg4[%dma_start3A, %dma_start3A_24] : memref<10240x128xf32, #tpu.memory_space<hbm>> -> memref<10240x128xf32, #tpu.memory_space<hbm>>
      tpu.enqueue_indirect_dma source(%dma_start3A_25 : memref<10240x128xf32, #tpu.memory_space<hbm>>) target(%arg9 : memref<128x128xf32, #tpu.memory_space<vmem>>) offsets(%arg7 : memref<128xi32, #tpu.memory_space<vmem>>) semaphore(%arg11 : memref<!tpu.dma_semaphore, #tpu.memory_space<semaphore_mem>>)
      %dma_wait3A = arith.constant 0 : i32
      %dma_wait3A_26 = arith.constant 0 : i32
      %dma_wait3A_27 = tpu.memref_slice %arg4[%dma_wait3A, %dma_wait3A_26] : memref<10240x128xf32, #tpu.memory_space<hbm>> -> memref<10240x128xf32, #tpu.memory_space<hbm>>
      tpu.wait_indirect_dma semaphore(%arg11 : memref<!tpu.dma_semaphore, #tpu.memory_space<semaphore_mem>>) src(%dma_wait3A_27 : memref<10240x128xf32, #tpu.memory_space<hbm>>) dst(%arg9 : memref<128x128xf32, #tpu.memory_space<vmem>>)
      "tpu.region"() ({
        %run_scoped3A = tpu.sem_alloc : memref<!tpu.dma_semaphore, #tpu.memory_space<semaphore_mem>>
        %dma_start3A_28 = arith.constant 0 : i32
        %dma_start3A_29 = arith.constant 0 : i32
        %dma_start3A_30 = tpu.memref_slice %arg10[%dma_start3A_28, %dma_start3A_29] : memref<10240x128xf32, #tpu.memory_space<vmem_shared>> -> memref<10240x128xf32, #tpu.memory_space<vmem_shared>>
        tpu.enqueue_indirect_dma source(%arg9 : memref<128x128xf32, #tpu.memory_space<vmem>>) target(%dma_start3A_30 : memref<10240x128xf32, #tpu.memory_space<vmem_shared>>) offsets(%arg8 : memref<128xi32, #tpu.memory_space<vmem>>) semaphore(%run_scoped3A : memref<!tpu.dma_semaphore, #tpu.memory_space<semaphore_mem>>) {add = true}
        %dma_wait3A_31 = arith.constant 0 : i32
        %dma_wait3A_32 = arith.constant 0 : i32
        %dma_wait3A_33 = tpu.memref_slice %arg10[%dma_wait3A_31, %dma_wait3A_32] : memref<10240x128xf32, #tpu.memory_space<vmem_shared>> -> memref<10240x128xf32, #tpu.memory_space<vmem_shared>>
        tpu.wait_indirect_dma semaphore(%run_scoped3A : memref<!tpu.dma_semaphore, #tpu.memory_space<semaphore_mem>>) src(%arg9 : memref<128x128xf32, #tpu.memory_space<vmem>>) dst(%dma_wait3A_33 : memref<10240x128xf32, #tpu.memory_space<vmem_shared>>)
        tpu.yield
      }) : () -> ()
    }
    %scan3A_11 = arith.constant 79 : i32
    %barrier3A_12 = arith.constant 0 : index
    tpu.barrier barrier_id(%barrier3A_12)
    %mul3A_13 = arith.constant 640 : i32
    %mul3A_14 = arith.muli %arg1, %mul3A_13 : i32
    %mul3A_15 = arith.constant 10240 : i32
    %mul3A_16 = arith.muli %arg0, %mul3A_15 : i32
    %mul3A_17 = arith.constant 640 : i32
    %mul3A_18 = arith.muli %arg1, %mul3A_17 : i32
    %add3A_19 = arith.addi %mul3A_16, %mul3A_18 : i32
    "tpu.region"() ({
      %run_scoped3A = tpu.sem_alloc : memref<!tpu.dma_semaphore, #tpu.memory_space<semaphore_mem>>
      %dma_start3A = arith.constant 0 : i32
      %dma_start3A_20 = tpu.memref_slice %arg6[%add3A_19, %dma_start3A] : memref<20480x128xf32, #tpu.memory_space<hbm>> -> memref<640x128xf32, #tpu.memory_space<hbm>>
      %dma_start3A_21 = arith.constant 0 : i32
      %dma_start3A_22 = tpu.memref_slice %arg10[%mul3A_14, %dma_start3A_21] : memref<10240x128xf32, #tpu.memory_space<vmem_shared>> -> memref<640x128xf32, #tpu.memory_space<vmem_shared>>
      tpu.enqueue_dma source(%dma_start3A_22 : memref<640x128xf32, #tpu.memory_space<vmem_shared>>) target(%dma_start3A_20 : memref<640x128xf32, #tpu.memory_space<hbm>>) target_semaphore(%run_scoped3A : memref<!tpu.dma_semaphore, #tpu.memory_space<semaphore_mem>>)
      %dma_wait3A = arith.constant 0 : i32
      %dma_wait3A_23 = tpu.memref_slice %arg6[%add3A_19, %dma_wait3A] : memref<20480x128xf32, #tpu.memory_space<hbm>> -> memref<640x128xf32, #tpu.memory_space<hbm>>
      %dma_wait3A_24 = arith.constant 0 : i32
      %dma_wait3A_25 = tpu.memref_slice %arg10[%mul3A_14, %dma_wait3A_24] : memref<10240x128xf32, #tpu.memory_space<vmem_shared>> -> memref<640x128xf32, #tpu.memory_space<vmem_shared>>
      tpu.wait_dma2 semaphore(%run_scoped3A : memref<!tpu.dma_semaphore, #tpu.memory_space<semaphore_mem>>) src(%dma_wait3A_25 : memref<640x128xf32, #tpu.memory_space<vmem_shared>>) dst(%dma_wait3A_23 : memref<640x128xf32, #tpu.memory_space<hbm>>)
      tpu.yield
    }) : () -> ()
    return
  }
}

#map = affine_map<(d0, d1) -> (0)>
module attributes {stable_mosaic.version = 14 : i64} {
  func.func @_deg_kernel(%arg0: i32, %arg1: i32, %arg2: memref<323584xi32, #tpu.memory_space<hbm>>, %arg3: memref<128xf32, #tpu.memory_space<hbm>>, %arg4: memref<10240xf32, #tpu.memory_space<hbm>>, %arg5: memref<10240xf32, #tpu.memory_space<hbm>>, %arg6: memref<128xi32, #tpu.memory_space<vmem>>, %arg7: memref<128xf32, #tpu.memory_space<vmem>>, %arg8: memref<10240xf32, #tpu.memory_space<vmem_shared>>) attributes {dimension_semantics = [#tpu.dimension_semantics<core_parallel>, #tpu.dimension_semantics<subcore_parallel>], iteration_bounds = array<i64: 2, 16>, scalar_prefetch = 0 : i64, scratch_operands = 3 : i64, tpu.core_type = #tpu.core_type<sc_vector_subcore>, window_params = [{transform_indices = #map}, {transform_indices = #map}, {transform_indices = #map}, {transform_indices = #map}]} {
    "tpu.region"() ({
      %run_scoped3A = tpu.sem_alloc : memref<!tpu.dma_semaphore, #tpu.memory_space<semaphore_mem>>
      tpu.enqueue_dma source(%arg3 : memref<128xf32, #tpu.memory_space<hbm>>) target(%arg7 : memref<128xf32, #tpu.memory_space<vmem>>) target_semaphore(%run_scoped3A : memref<!tpu.dma_semaphore, #tpu.memory_space<semaphore_mem>>)
      tpu.wait_dma2 semaphore(%run_scoped3A : memref<!tpu.dma_semaphore, #tpu.memory_space<semaphore_mem>>) src(%arg3 : memref<128xf32, #tpu.memory_space<hbm>>) dst(%arg7 : memref<128xf32, #tpu.memory_space<vmem>>)
      tpu.yield
    }) : () -> ()
    %mul3A = arith.constant 640 : i32
    %mul3A_0 = arith.muli %arg1, %mul3A : i32
    %mul3A_1 = arith.constant 640 : i32
    %mul3A_2 = arith.muli %arg1, %mul3A_1 : i32
    "tpu.region"() ({
      %run_scoped3A = tpu.sem_alloc : memref<!tpu.dma_semaphore, #tpu.memory_space<semaphore_mem>>
      %dma_start3A = tpu.memref_slice %arg8[%mul3A_2] : memref<10240xf32, #tpu.memory_space<vmem_shared>> -> memref<640xf32, #tpu.memory_space<vmem_shared>>
      %dma_start3A_15 = tpu.memref_slice %arg4[%mul3A_0] : memref<10240xf32, #tpu.memory_space<hbm>> -> memref<640xf32, #tpu.memory_space<hbm>>
      tpu.enqueue_dma source(%dma_start3A_15 : memref<640xf32, #tpu.memory_space<hbm>>) target(%dma_start3A : memref<640xf32, #tpu.memory_space<vmem_shared>>) target_semaphore(%run_scoped3A : memref<!tpu.dma_semaphore, #tpu.memory_space<semaphore_mem>>)
      %dma_wait3A = tpu.memref_slice %arg8[%mul3A_2] : memref<10240xf32, #tpu.memory_space<vmem_shared>> -> memref<640xf32, #tpu.memory_space<vmem_shared>>
      %dma_wait3A_16 = tpu.memref_slice %arg4[%mul3A_0] : memref<10240xf32, #tpu.memory_space<hbm>> -> memref<640xf32, #tpu.memory_space<hbm>>
      tpu.wait_dma2 semaphore(%run_scoped3A : memref<!tpu.dma_semaphore, #tpu.memory_space<semaphore_mem>>) src(%dma_wait3A_16 : memref<640xf32, #tpu.memory_space<hbm>>) dst(%dma_wait3A : memref<640xf32, #tpu.memory_space<vmem_shared>>)
      tpu.yield
    }) : () -> ()
    %barrier3A = arith.constant 0 : index
    tpu.barrier barrier_id(%barrier3A)
    %mul3A_3 = arith.constant 20224 : i32
    %mul3A_4 = arith.muli %arg1, %mul3A_3 : i32
    %scan3A = arith.constant 0 : i32
    %scan3A_5 = arith.constant 0 : i32
    %scan3A_6 = arith.constant 158 : i32
    %scan3A_7 = arith.addi %scan3A_5, %scan3A_6 : i32
    %scan3A_8 = arith.constant 1 : i32
    scf.for %scan3A_15 = %scan3A_5 to %scan3A_7 step %scan3A_8  : i32 {
      %mul3A_16 = arith.constant 128 : i32
      %mul3A_17 = arith.muli %scan3A_15, %mul3A_16 : i32
      %add3A = arith.addi %mul3A_4, %mul3A_17 : i32
      "tpu.region"() ({
        %run_scoped3A = tpu.sem_alloc : memref<!tpu.dma_semaphore, #tpu.memory_space<semaphore_mem>>
        %dma_start3A = tpu.memref_slice %arg2[%add3A] : memref<323584xi32, #tpu.memory_space<hbm>> -> memref<128xi32, #tpu.memory_space<hbm>>
        %dma_start3A_18 = tpu.memref_slice %arg2[%add3A] : memref<323584xi32, #tpu.memory_space<hbm>> -> memref<128xi32, #tpu.memory_space<hbm>>
        tpu.enqueue_dma source(%dma_start3A_18 : memref<128xi32, #tpu.memory_space<hbm>>) target(%arg6 : memref<128xi32, #tpu.memory_space<vmem>>) target_semaphore(%run_scoped3A : memref<!tpu.dma_semaphore, #tpu.memory_space<semaphore_mem>>)
        %dma_wait3A = tpu.memref_slice %arg2[%add3A] : memref<323584xi32, #tpu.memory_space<hbm>> -> memref<128xi32, #tpu.memory_space<hbm>>
        %dma_wait3A_19 = tpu.memref_slice %arg2[%add3A] : memref<323584xi32, #tpu.memory_space<hbm>> -> memref<128xi32, #tpu.memory_space<hbm>>
        tpu.wait_dma2 semaphore(%run_scoped3A : memref<!tpu.dma_semaphore, #tpu.memory_space<semaphore_mem>>) src(%dma_wait3A_19 : memref<128xi32, #tpu.memory_space<hbm>>) dst(%arg6 : memref<128xi32, #tpu.memory_space<vmem>>)
        tpu.yield
      }) : () -> ()
      "tpu.region"() ({
        %run_scoped3A = tpu.sem_alloc : memref<!tpu.dma_semaphore, #tpu.memory_space<semaphore_mem>>
        %dma_start3A = arith.constant 0 : i32
        %dma_start3A_18 = tpu.memref_slice %arg8[%dma_start3A] : memref<10240xf32, #tpu.memory_space<vmem_shared>> -> memref<10240xf32, #tpu.memory_space<vmem_shared>>
        tpu.enqueue_indirect_dma source(%arg7 : memref<128xf32, #tpu.memory_space<vmem>>) target(%dma_start3A_18 : memref<10240xf32, #tpu.memory_space<vmem_shared>>) offsets(%arg6 : memref<128xi32, #tpu.memory_space<vmem>>) semaphore(%run_scoped3A : memref<!tpu.dma_semaphore, #tpu.memory_space<semaphore_mem>>) {add = true}
        %dma_wait3A = arith.constant 0 : i32
        %dma_wait3A_19 = tpu.memref_slice %arg8[%dma_wait3A] : memref<10240xf32, #tpu.memory_space<vmem_shared>> -> memref<10240xf32, #tpu.memory_space<vmem_shared>>
        tpu.wait_indirect_dma semaphore(%run_scoped3A : memref<!tpu.dma_semaphore, #tpu.memory_space<semaphore_mem>>) src(%arg7 : memref<128xf32, #tpu.memory_space<vmem>>) dst(%dma_wait3A_19 : memref<10240xf32, #tpu.memory_space<vmem_shared>>)
        tpu.yield
      }) : () -> ()
    }
    %scan3A_9 = arith.constant 158 : i32
    %barrier3A_10 = arith.constant 0 : index
    tpu.barrier barrier_id(%barrier3A_10)
    %mul3A_11 = arith.constant 640 : i32
    %mul3A_12 = arith.muli %arg1, %mul3A_11 : i32
    %mul3A_13 = arith.constant 640 : i32
    %mul3A_14 = arith.muli %arg1, %mul3A_13 : i32
    "tpu.region"() ({
      %run_scoped3A = tpu.sem_alloc : memref<!tpu.dma_semaphore, #tpu.memory_space<semaphore_mem>>
      %dma_start3A = tpu.memref_slice %arg5[%mul3A_14] : memref<10240xf32, #tpu.memory_space<hbm>> -> memref<640xf32, #tpu.memory_space<hbm>>
      %dma_start3A_15 = tpu.memref_slice %arg8[%mul3A_12] : memref<10240xf32, #tpu.memory_space<vmem_shared>> -> memref<640xf32, #tpu.memory_space<vmem_shared>>
      tpu.enqueue_dma source(%dma_start3A_15 : memref<640xf32, #tpu.memory_space<vmem_shared>>) target(%dma_start3A : memref<640xf32, #tpu.memory_space<hbm>>) target_semaphore(%run_scoped3A : memref<!tpu.dma_semaphore, #tpu.memory_space<semaphore_mem>>)
      %dma_wait3A = tpu.memref_slice %arg5[%mul3A_14] : memref<10240xf32, #tpu.memory_space<hbm>> -> memref<640xf32, #tpu.memory_space<hbm>>
      %dma_wait3A_16 = tpu.memref_slice %arg8[%mul3A_12] : memref<10240xf32, #tpu.memory_space<vmem_shared>> -> memref<640xf32, #tpu.memory_space<vmem_shared>>
      tpu.wait_dma2 semaphore(%run_scoped3A : memref<!tpu.dma_semaphore, #tpu.memory_space<semaphore_mem>>) src(%dma_wait3A_16 : memref<640xf32, #tpu.memory_space<vmem_shared>>) dst(%dma_wait3A : memref<640xf32, #tpu.memory_space<hbm>>)
      tpu.yield
    }) : () -> ()
    return
  }
}

#map = affine_map<(d0, d1) -> (0)>
#map1 = affine_map<(d0, d1) -> (0, 0)>
module attributes {stable_mosaic.version = 14 : i64} {
  func.func @_agg_kernel(%arg0: i32, %arg1: i32, %arg2: memref<323584xi32, #tpu.memory_space<hbm>>, %arg3: memref<323584xi32, #tpu.memory_space<hbm>>, %arg4: memref<10240x128xf32, #tpu.memory_space<hbm>>, %arg5: memref<10240x128xf32, #tpu.memory_space<hbm>>, %arg6: memref<20480x128xf32, #tpu.memory_space<hbm>>, %arg7: memref<128xi32, #tpu.memory_space<vmem>>, %arg8: memref<128xi32, #tpu.memory_space<vmem>>, %arg9: memref<128x128xf32, #tpu.memory_space<vmem>>, %arg10: memref<10240x128xf32, #tpu.memory_space<vmem_shared>>, %arg11: memref<!tpu.dma_semaphore, #tpu.memory_space<semaphore_mem>>) attributes {dimension_semantics = [#tpu.dimension_semantics<core_parallel>, #tpu.dimension_semantics<subcore_parallel>], iteration_bounds = array<i64: 2, 16>, scalar_prefetch = 0 : i64, scratch_operands = 5 : i64, tpu.core_type = #tpu.core_type<sc_vector_subcore>, window_params = [{transform_indices = #map}, {transform_indices = #map}, {transform_indices = #map1}, {transform_indices = #map1}, {transform_indices = #map1}]} {
    %mul3A = arith.constant 2 : i32
    %mul3A_0 = arith.muli %arg1, %mul3A : i32
    %add3A = arith.addi %mul3A_0, %arg0 : i32
    %mul3A_1 = arith.constant 640 : i32
    %mul3A_2 = arith.muli %arg1, %mul3A_1 : i32
    %mul3A_3 = arith.constant 640 : i32
    %mul3A_4 = arith.muli %arg1, %mul3A_3 : i32
    "tpu.region"() ({
      %run_scoped3A = tpu.sem_alloc : memref<!tpu.dma_semaphore, #tpu.memory_space<semaphore_mem>>
      %dma_start3A = arith.constant 0 : i32
      %dma_start3A_20 = tpu.memref_slice %arg10[%mul3A_4, %dma_start3A] : memref<10240x128xf32, #tpu.memory_space<vmem_shared>> -> memref<640x128xf32, #tpu.memory_space<vmem_shared>>
      %dma_start3A_21 = arith.constant 0 : i32
      %dma_start3A_22 = tpu.memref_slice %arg5[%mul3A_2, %dma_start3A_21] : memref<10240x128xf32, #tpu.memory_space<hbm>> -> memref<640x128xf32, #tpu.memory_space<hbm>>
      tpu.enqueue_dma source(%dma_start3A_22 : memref<640x128xf32, #tpu.memory_space<hbm>>) target(%dma_start3A_20 : memref<640x128xf32, #tpu.memory_space<vmem_shared>>) target_semaphore(%run_scoped3A : memref<!tpu.dma_semaphore, #tpu.memory_space<semaphore_mem>>)
      %dma_wait3A = arith.constant 0 : i32
      %dma_wait3A_23 = tpu.memref_slice %arg10[%mul3A_4, %dma_wait3A] : memref<10240x128xf32, #tpu.memory_space<vmem_shared>> -> memref<640x128xf32, #tpu.memory_space<vmem_shared>>
      %dma_wait3A_24 = arith.constant 0 : i32
      %dma_wait3A_25 = tpu.memref_slice %arg5[%mul3A_2, %dma_wait3A_24] : memref<10240x128xf32, #tpu.memory_space<hbm>> -> memref<640x128xf32, #tpu.memory_space<hbm>>
      tpu.wait_dma2 semaphore(%run_scoped3A : memref<!tpu.dma_semaphore, #tpu.memory_space<semaphore_mem>>) src(%dma_wait3A_25 : memref<640x128xf32, #tpu.memory_space<hbm>>) dst(%dma_wait3A_23 : memref<640x128xf32, #tpu.memory_space<vmem_shared>>)
      tpu.yield
    }) : () -> ()
    %barrier3A = arith.constant 0 : index
    tpu.barrier barrier_id(%barrier3A)
    %mul3A_5 = arith.constant 10112 : i32
    %mul3A_6 = arith.muli %add3A, %mul3A_5 : i32
    %scan3A = arith.constant 0 : i32
    %scan3A_7 = arith.constant 0 : i32
    %scan3A_8 = arith.constant 79 : i32
    %scan3A_9 = arith.addi %scan3A_7, %scan3A_8 : i32
    %scan3A_10 = arith.constant 1 : i32
    scf.for %scan3A_20 = %scan3A_7 to %scan3A_9 step %scan3A_10  : i32 {
      %mul3A_21 = arith.constant 128 : i32
      %mul3A_22 = arith.muli %scan3A_20, %mul3A_21 : i32
      %add3A_23 = arith.addi %mul3A_6, %mul3A_22 : i32
      "tpu.region"() ({
        %run_scoped3A = tpu.sem_alloc : memref<!tpu.dma_semaphore, #tpu.memory_space<semaphore_mem>>
        %dma_start3A_28 = tpu.memref_slice %arg2[%add3A_23] : memref<323584xi32, #tpu.memory_space<hbm>> -> memref<128xi32, #tpu.memory_space<hbm>>
        %dma_start3A_29 = tpu.memref_slice %arg2[%add3A_23] : memref<323584xi32, #tpu.memory_space<hbm>> -> memref<128xi32, #tpu.memory_space<hbm>>
        tpu.enqueue_dma source(%dma_start3A_29 : memref<128xi32, #tpu.memory_space<hbm>>) target(%arg7 : memref<128xi32, #tpu.memory_space<vmem>>) target_semaphore(%run_scoped3A : memref<!tpu.dma_semaphore, #tpu.memory_space<semaphore_mem>>)
        %dma_wait3A_30 = tpu.memref_slice %arg2[%add3A_23] : memref<323584xi32, #tpu.memory_space<hbm>> -> memref<128xi32, #tpu.memory_space<hbm>>
        %dma_wait3A_31 = tpu.memref_slice %arg2[%add3A_23] : memref<323584xi32, #tpu.memory_space<hbm>> -> memref<128xi32, #tpu.memory_space<hbm>>
        tpu.wait_dma2 semaphore(%run_scoped3A : memref<!tpu.dma_semaphore, #tpu.memory_space<semaphore_mem>>) src(%dma_wait3A_31 : memref<128xi32, #tpu.memory_space<hbm>>) dst(%arg7 : memref<128xi32, #tpu.memory_space<vmem>>)
        tpu.yield
      }) : () -> ()
      "tpu.region"() ({
        %run_scoped3A = tpu.sem_alloc : memref<!tpu.dma_semaphore, #tpu.memory_space<semaphore_mem>>
        %dma_start3A_28 = tpu.memref_slice %arg3[%add3A_23] : memref<323584xi32, #tpu.memory_space<hbm>> -> memref<128xi32, #tpu.memory_space<hbm>>
        %dma_start3A_29 = tpu.memref_slice %arg3[%add3A_23] : memref<323584xi32, #tpu.memory_space<hbm>> -> memref<128xi32, #tpu.memory_space<hbm>>
        tpu.enqueue_dma source(%dma_start3A_29 : memref<128xi32, #tpu.memory_space<hbm>>) target(%arg8 : memref<128xi32, #tpu.memory_space<vmem>>) target_semaphore(%run_scoped3A : memref<!tpu.dma_semaphore, #tpu.memory_space<semaphore_mem>>)
        %dma_wait3A_30 = tpu.memref_slice %arg3[%add3A_23] : memref<323584xi32, #tpu.memory_space<hbm>> -> memref<128xi32, #tpu.memory_space<hbm>>
        %dma_wait3A_31 = tpu.memref_slice %arg3[%add3A_23] : memref<323584xi32, #tpu.memory_space<hbm>> -> memref<128xi32, #tpu.memory_space<hbm>>
        tpu.wait_dma2 semaphore(%run_scoped3A : memref<!tpu.dma_semaphore, #tpu.memory_space<semaphore_mem>>) src(%dma_wait3A_31 : memref<128xi32, #tpu.memory_space<hbm>>) dst(%arg8 : memref<128xi32, #tpu.memory_space<vmem>>)
        tpu.yield
      }) : () -> ()
      %dma_start3A = arith.constant 0 : i32
      %dma_start3A_24 = arith.constant 0 : i32
      %dma_start3A_25 = tpu.memref_slice %arg4[%dma_start3A, %dma_start3A_24] : memref<10240x128xf32, #tpu.memory_space<hbm>> -> memref<10240x128xf32, #tpu.memory_space<hbm>>
      tpu.enqueue_indirect_dma source(%dma_start3A_25 : memref<10240x128xf32, #tpu.memory_space<hbm>>) target(%arg9 : memref<128x128xf32, #tpu.memory_space<vmem>>) offsets(%arg7 : memref<128xi32, #tpu.memory_space<vmem>>) semaphore(%arg11 : memref<!tpu.dma_semaphore, #tpu.memory_space<semaphore_mem>>)
      %dma_wait3A = arith.constant 0 : i32
      %dma_wait3A_26 = arith.constant 0 : i32
      %dma_wait3A_27 = tpu.memref_slice %arg4[%dma_wait3A, %dma_wait3A_26] : memref<10240x128xf32, #tpu.memory_space<hbm>> -> memref<10240x128xf32, #tpu.memory_space<hbm>>
      tpu.wait_indirect_dma semaphore(%arg11 : memref<!tpu.dma_semaphore, #tpu.memory_space<semaphore_mem>>) src(%dma_wait3A_27 : memref<10240x128xf32, #tpu.memory_space<hbm>>) dst(%arg9 : memref<128x128xf32, #tpu.memory_space<vmem>>)
      "tpu.region"() ({
        %run_scoped3A = tpu.sem_alloc : memref<!tpu.dma_semaphore, #tpu.memory_space<semaphore_mem>>
        %dma_start3A_28 = arith.constant 0 : i32
        %dma_start3A_29 = arith.constant 0 : i32
        %dma_start3A_30 = tpu.memref_slice %arg10[%dma_start3A_28, %dma_start3A_29] : memref<10240x128xf32, #tpu.memory_space<vmem_shared>> -> memref<10240x128xf32, #tpu.memory_space<vmem_shared>>
        tpu.enqueue_indirect_dma source(%arg9 : memref<128x128xf32, #tpu.memory_space<vmem>>) target(%dma_start3A_30 : memref<10240x128xf32, #tpu.memory_space<vmem_shared>>) offsets(%arg8 : memref<128xi32, #tpu.memory_space<vmem>>) semaphore(%run_scoped3A : memref<!tpu.dma_semaphore, #tpu.memory_space<semaphore_mem>>) {add = true}
        %dma_wait3A_31 = arith.constant 0 : i32
        %dma_wait3A_32 = arith.constant 0 : i32
        %dma_wait3A_33 = tpu.memref_slice %arg10[%dma_wait3A_31, %dma_wait3A_32] : memref<10240x128xf32, #tpu.memory_space<vmem_shared>> -> memref<10240x128xf32, #tpu.memory_space<vmem_shared>>
        tpu.wait_indirect_dma semaphore(%run_scoped3A : memref<!tpu.dma_semaphore, #tpu.memory_space<semaphore_mem>>) src(%arg9 : memref<128x128xf32, #tpu.memory_space<vmem>>) dst(%dma_wait3A_33 : memref<10240x128xf32, #tpu.memory_space<vmem_shared>>)
        tpu.yield
      }) : () -> ()
    }
    %scan3A_11 = arith.constant 79 : i32
    %barrier3A_12 = arith.constant 0 : index
    tpu.barrier barrier_id(%barrier3A_12)
    %mul3A_13 = arith.constant 640 : i32
    %mul3A_14 = arith.muli %arg1, %mul3A_13 : i32
    %mul3A_15 = arith.constant 10240 : i32
    %mul3A_16 = arith.muli %arg0, %mul3A_15 : i32
    %mul3A_17 = arith.constant 640 : i32
    %mul3A_18 = arith.muli %arg1, %mul3A_17 : i32
    %add3A_19 = arith.addi %mul3A_16, %mul3A_18 : i32
    "tpu.region"() ({
      %run_scoped3A = tpu.sem_alloc : memref<!tpu.dma_semaphore, #tpu.memory_space<semaphore_mem>>
      %dma_start3A = arith.constant 0 : i32
      %dma_start3A_20 = tpu.memref_slice %arg6[%add3A_19, %dma_start3A] : memref<20480x128xf32, #tpu.memory_space<hbm>> -> memref<640x128xf32, #tpu.memory_space<hbm>>
      %dma_start3A_21 = arith.constant 0 : i32
      %dma_start3A_22 = tpu.memref_slice %arg10[%mul3A_14, %dma_start3A_21] : memref<10240x128xf32, #tpu.memory_space<vmem_shared>> -> memref<640x128xf32, #tpu.memory_space<vmem_shared>>
      tpu.enqueue_dma source(%dma_start3A_22 : memref<640x128xf32, #tpu.memory_space<vmem_shared>>) target(%dma_start3A_20 : memref<640x128xf32, #tpu.memory_space<hbm>>) target_semaphore(%run_scoped3A : memref<!tpu.dma_semaphore, #tpu.memory_space<semaphore_mem>>)
      %dma_wait3A = arith.constant 0 : i32
      %dma_wait3A_23 = tpu.memref_slice %arg6[%add3A_19, %dma_wait3A] : memref<20480x128xf32, #tpu.memory_space<hbm>> -> memref<640x128xf32, #tpu.memory_space<hbm>>
      %dma_wait3A_24 = arith.constant 0 : i32
      %dma_wait3A_25 = tpu.memref_slice %arg10[%mul3A_14, %dma_wait3A_24] : memref<10240x128xf32, #tpu.memory_space<vmem_shared>> -> memref<640x128xf32, #tpu.memory_space<vmem_shared>>
      tpu.wait_dma2 semaphore(%run_scoped3A : memref<!tpu.dma_semaphore, #tpu.memory_space<semaphore_mem>>) src(%dma_wait3A_25 : memref<640x128xf32, #tpu.memory_space<vmem_shared>>) dst(%dma_wait3A_23 : memref<640x128xf32, #tpu.memory_space<hbm>>)
      tpu.yield
    }) : () -> ()
    return
  }
}

module attributes {stable_mosaic.version = 14 : i64} {
  func.func @_mm_scale_body(%arg0: i32, %arg1: memref<1280x128xf32, #tpu.memory_space<vmem>>, %arg2: memref<128x128xf32, #tpu.memory_space<vmem>>, %arg3: memref<1280x1xf32, #tpu.memory_space<vmem>>, %arg4: memref<1280x128xf32, #tpu.memory_space<vmem>>, %arg5: memref<1280x128xf32, #tpu.memory_space<vmem>>, %arg6: memref<1280x1xf32, #tpu.memory_space<vmem>>) attributes {dimension_semantics = [#tpu.dimension_semantics<arbitrary>], iteration_bounds = array<i64: 8>, scalar_prefetch = 0 : i64, scratch_operands = 0 : i64, tpu.core_type = #tpu.core_type<tc>, window_params = [{transform_indices = @transform_0, window_bounds = array<i64: 1280, 128>}, {pipeline_mode = #tpu.pipeline_mode<synchronous>, transform_indices = @transform_1, window_bounds = array<i64: 128, 128>}, {transform_indices = @transform_2, window_bounds = array<i64: 1280, 1>}, {transform_indices = @transform_3, window_bounds = array<i64: 1280, 128>}, {transform_indices = @transform_4, window_bounds = array<i64: 1280, 128>}, {transform_indices = @transform_5, window_bounds = array<i64: 1280, 1>}]} {
    %get3A = arith.constant 0 : index
    %get3A_0 = arith.constant 0 : index
    %get3A_1 = vector.load %arg3[%get3A, %get3A_0] : memref<1280x1xf32, #tpu.memory_space<vmem>>, vector<1280x1xf32>
    %add3A = arith.constant 1.000000e+00 : f32
    %add3A_2 = vector.broadcast %add3A : f32 to vector<1280x1xf32>
    %add3A_3 = arith.addf %get3A_1, %add3A_2 : vector<1280x1xf32>
    %rsqrt3A = math.rsqrt %add3A_3 : vector<1280x1xf32>
    %get3A_4 = arith.constant 0 : index
    %get3A_5 = arith.constant 0 : index
    %get3A_6 = vector.load %arg1[%get3A_4, %get3A_5] : memref<1280x128xf32, #tpu.memory_space<vmem>>, vector<1280x128xf32>
    %get3A_7 = arith.constant 0 : index
    %get3A_8 = arith.constant 0 : index
    %get3A_9 = vector.load %arg2[%get3A_7, %get3A_8] : memref<128x128xf32, #tpu.memory_space<vmem>>, vector<128x128xf32>
    %dot_general3A = arith.constant dense<0.000000e+00> : vector<1280x128xf32>
    %dot_general3A_10 = tpu.matmul %get3A_6, %get3A_9, %dot_general3A {dimension_numbers = #tpu.dot_dimension_numbers<[1], [0], [0], [1], [0, 0, 1, 1], [], []>, transpose_lhs_hint = false} : vector<1280x128xf32>, vector<128x128xf32>, vector<1280x128xf32> -> vector<1280x128xf32>
    %swap3A = arith.constant 0 : index
    %swap3A_11 = arith.constant 0 : index
    %swap3A_12 = vector.load %arg4[%swap3A, %swap3A_11] : memref<1280x128xf32, #tpu.memory_space<vmem>>, vector<1280x128xf32>
    tpu.vector_store %arg4[%swap3A, %swap3A_11], %dot_general3A_10 {strides = array<i32>} : memref<1280x128xf32, #tpu.memory_space<vmem>>, vector<1280x128xf32>,
    %mul3A = vector.broadcast %rsqrt3A : vector<1280x1xf32> to vector<1280x128xf32>
    %mul3A_13 = arith.mulf %dot_general3A_10, %mul3A : vector<1280x128xf32>
    %swap3A_14 = arith.constant 0 : index
    %swap3A_15 = arith.constant 0 : index
    %swap3A_16 = vector.load %arg5[%swap3A_14, %swap3A_15] : memref<1280x128xf32, #tpu.memory_space<vmem>>, vector<1280x128xf32>
    tpu.vector_store %arg5[%swap3A_14, %swap3A_15], %mul3A_13 {strides = array<i32>} : memref<1280x128xf32, #tpu.memory_space<vmem>>, vector<1280x128xf32>,
    %swap3A_17 = arith.constant 0 : index
    %swap3A_18 = arith.constant 0 : index
    %swap3A_19 = vector.load %arg6[%swap3A_17, %swap3A_18] : memref<1280x1xf32, #tpu.memory_space<vmem>>, vector<1280x1xf32>
    tpu.vector_store %arg6[%swap3A_17, %swap3A_18], %rsqrt3A {strides = array<i32>} : memref<1280x1xf32, #tpu.memory_space<vmem>>, vector<1280x1xf32>,
    return
  }
  func.func @transform_0(%arg0: i32) -> (i32, i32) {
    %c0_i32 = arith.constant 0 : i32
    %c0_i32_0 = arith.constant 0 : i32
    return %arg0, %c0_i32 : i32, i32
  }
  func.func @transform_1(%arg0: i32) -> (i32, i32) {
    %c0_i32 = arith.constant 0 : i32
    %c0_i32_0 = arith.constant 0 : i32
    %c0_i32_1 = arith.constant 0 : i32
    return %c0_i32, %c0_i32_0 : i32, i32
  }
  func.func @transform_2(%arg0: i32) -> (i32, i32) {
    %c0_i32 = arith.constant 0 : i32
    %c0_i32_0 = arith.constant 0 : i32
    return %arg0, %c0_i32 : i32, i32
  }
  func.func @transform_3(%arg0: i32) -> (i32, i32) {
    %c0_i32 = arith.constant 0 : i32
    %c0_i32_0 = arith.constant 0 : i32
    return %arg0, %c0_i32 : i32, i32
  }
  func.func @transform_4(%arg0: i32) -> (i32, i32) {
    %c0_i32 = arith.constant 0 : i32
    %c0_i32_0 = arith.constant 0 : i32
    return %arg0, %c0_i32 : i32, i32
  }
  func.func @transform_5(%arg0: i32) -> (i32, i32) {
    %c0_i32 = arith.constant 0 : i32
    %c0_i32_0 = arith.constant 0 : i32
    return %arg0, %c0_i32 : i32, i32
  }
}

module attributes {stable_mosaic.version = 14 : i64} {
  func.func @_fin_body(%arg0: i32, %arg1: memref<2x1280x128xf32, #tpu.memory_space<vmem>>, %arg2: memref<1280x128xf32, #tpu.memory_space<vmem>>, %arg3: memref<1280x1xf32, #tpu.memory_space<vmem>>, %arg4: memref<1x128xf32, #tpu.memory_space<vmem>>, %arg5: memref<1280x128xf32, #tpu.memory_space<vmem>>) attributes {dimension_semantics = [#tpu.dimension_semantics<arbitrary>], iteration_bounds = array<i64: 8>, scalar_prefetch = 0 : i64, scratch_operands = 0 : i64, tpu.core_type = #tpu.core_type<tc>, window_params = [{transform_indices = @transform_0, window_bounds = array<i64: 2, 1280, 128>}, {transform_indices = @transform_1, window_bounds = array<i64: 1280, 128>}, {transform_indices = @transform_2, window_bounds = array<i64: 1280, 1>}, {pipeline_mode = #tpu.pipeline_mode<synchronous>, transform_indices = @transform_3, window_bounds = array<i64: 1, 128>}, {transform_indices = @transform_4, window_bounds = array<i64: 1280, 128>}]} {
    %get3A = arith.constant 0 : index
    %get3A_0 = arith.constant 0 : index
    %get3A_1 = vector.load %arg3[%get3A, %get3A_0] : memref<1280x1xf32, #tpu.memory_space<vmem>>, vector<1280x1xf32>
    %get3A_2 = arith.constant 0 : index
    %get3A_3 = arith.constant 0 : index
    %get3A_4 = arith.constant 0 : index
    %get3A_5 = vector.load %arg1[%get3A_2, %get3A_3, %get3A_4] : memref<2x1280x128xf32, #tpu.memory_space<vmem>>, vector<1x1280x128xf32>
    %get3A_6 = vector.shape_cast %get3A_5 : vector<1x1280x128xf32> to vector<1280x128xf32>
    %get3A_7 = arith.constant 1 : index
    %get3A_8 = arith.constant 0 : index
    %get3A_9 = arith.constant 0 : index
    %get3A_10 = vector.load %arg1[%get3A_7, %get3A_8, %get3A_9] : memref<2x1280x128xf32, #tpu.memory_space<vmem>>, vector<1x1280x128xf32>
    %get3A_11 = vector.shape_cast %get3A_10 : vector<1x1280x128xf32> to vector<1280x128xf32>
    %add3A = arith.addf %get3A_6, %get3A_11 : vector<1280x128xf32>
    %mul3A = vector.broadcast %get3A_1 : vector<1280x1xf32> to vector<1280x128xf32>
    %mul3A_12 = arith.mulf %mul3A, %add3A : vector<1280x128xf32>
    %mul3A_13 = arith.mulf %get3A_1, %get3A_1 : vector<1280x1xf32>
    %get3A_14 = arith.constant 0 : index
    %get3A_15 = arith.constant 0 : index
    %get3A_16 = vector.load %arg2[%get3A_14, %get3A_15] : memref<1280x128xf32, #tpu.memory_space<vmem>>, vector<1280x128xf32>
    %mul3A_17 = vector.broadcast %mul3A_13 : vector<1280x1xf32> to vector<1280x128xf32>
    %mul3A_18 = arith.mulf %mul3A_17, %get3A_16 : vector<1280x128xf32>
    %add3A_19 = arith.addf %mul3A_12, %mul3A_18 : vector<1280x128xf32>
    %get3A_20 = arith.constant 0 : index
    %get3A_21 = arith.constant 0 : index
    %get3A_22 = vector.load %arg4[%get3A_20, %get3A_21] : memref<1x128xf32, #tpu.memory_space<vmem>>, vector<1x128xf32>
    %add3A_23 = vector.broadcast %get3A_22 : vector<1x128xf32> to vector<1280x128xf32>
    %add3A_24 = arith.addf %add3A_19, %add3A_23 : vector<1280x128xf32>
    %swap3A = arith.constant 0 : index
    %swap3A_25 = arith.constant 0 : index
    %swap3A_26 = vector.load %arg5[%swap3A, %swap3A_25] : memref<1280x128xf32, #tpu.memory_space<vmem>>, vector<1280x128xf32>
    tpu.vector_store %arg5[%swap3A, %swap3A_25], %add3A_24 {strides = array<i32>} : memref<1280x128xf32, #tpu.memory_space<vmem>>, vector<1280x128xf32>,
    return
  }
  func.func @transform_0(%arg0: i32) -> (i32, i32, i32) {
    %c0_i32 = arith.constant 0 : i32
    %c0_i32_0 = arith.constant 0 : i32
    %c0_i32_1 = arith.constant 0 : i32
    return %c0_i32, %arg0, %c0_i32_0 : i32, i32, i32
  }
  func.func @transform_1(%arg0: i32) -> (i32, i32) {
    %c0_i32 = arith.constant 0 : i32
    %c0_i32_0 = arith.constant 0 : i32
    return %arg0, %c0_i32 : i32, i32
  }
  func.func @transform_2(%arg0: i32) -> (i32, i32) {
    %c0_i32 = arith.constant 0 : i32
    %c0_i32_0 = arith.constant 0 : i32
    return %arg0, %c0_i32 : i32, i32
  }
  func.func @transform_3(%arg0: i32) -> (i32, i32) {
    %c0_i32 = arith.constant 0 : i32
    %c0_i32_0 = arith.constant 0 : i32
    %c0_i32_1 = arith.constant 0 : i32
    return %c0_i32, %c0_i32_0 : i32, i32
  }
  func.func @transform_4(%arg0: i32) -> (i32, i32) {
    %c0_i32 = arith.constant 0 : i32
    %c0_i32_0 = arith.constant 0 : i32
    return %arg0, %c0_i32 : i32, i32
  }
}

module attributes {stable_mosaic.version = 14 : i64} {
  func.func @_mid_body(%arg0: i32, %arg1: memref<2x1280x128xf32, #tpu.memory_space<vmem>>, %arg2: memref<1280x128xf32, #tpu.memory_space<vmem>>, %arg3: memref<1280x1xf32, #tpu.memory_space<vmem>>, %arg4: memref<1x128xf32, #tpu.memory_space<vmem>>, %arg5: memref<128x128xf32, #tpu.memory_space<vmem>>, %arg6: memref<1280x128xf32, #tpu.memory_space<vmem>>, %arg7: memref<1280x128xf32, #tpu.memory_space<vmem>>) attributes {dimension_semantics = [#tpu.dimension_semantics<arbitrary>], iteration_bounds = array<i64: 8>, scalar_prefetch = 0 : i64, scratch_operands = 0 : i64, tpu.core_type = #tpu.core_type<tc>, window_params = [{transform_indices = @transform_0, window_bounds = array<i64: 2, 1280, 128>}, {transform_indices = @transform_1, window_bounds = array<i64: 1280, 128>}, {transform_indices = @transform_2, window_bounds = array<i64: 1280, 1>}, {pipeline_mode = #tpu.pipeline_mode<synchronous>, transform_indices = @transform_3, window_bounds = array<i64: 1, 128>}, {pipeline_mode = #tpu.pipeline_mode<synchronous>, transform_indices = @transform_4, window_bounds = array<i64: 128, 128>}, {transform_indices = @transform_5, window_bounds = array<i64: 1280, 128>}, {transform_indices = @transform_6, window_bounds = array<i64: 1280, 128>}]} {
    %get3A = arith.constant 0 : index
    %get3A_0 = arith.constant 0 : index
    %get3A_1 = vector.load %arg3[%get3A, %get3A_0] : memref<1280x1xf32, #tpu.memory_space<vmem>>, vector<1280x1xf32>
    %get3A_2 = arith.constant 0 : index
    %get3A_3 = arith.constant 0 : index
    %get3A_4 = arith.constant 0 : index
    %get3A_5 = vector.load %arg1[%get3A_2, %get3A_3, %get3A_4] : memref<2x1280x128xf32, #tpu.memory_space<vmem>>, vector<1x1280x128xf32>
    %get3A_6 = vector.shape_cast %get3A_5 : vector<1x1280x128xf32> to vector<1280x128xf32>
    %get3A_7 = arith.constant 1 : index
    %get3A_8 = arith.constant 0 : index
    %get3A_9 = arith.constant 0 : index
    %get3A_10 = vector.load %arg1[%get3A_7, %get3A_8, %get3A_9] : memref<2x1280x128xf32, #tpu.memory_space<vmem>>, vector<1x1280x128xf32>
    %get3A_11 = vector.shape_cast %get3A_10 : vector<1x1280x128xf32> to vector<1280x128xf32>
    %add3A = arith.addf %get3A_6, %get3A_11 : vector<1280x128xf32>
    %mul3A = vector.broadcast %get3A_1 : vector<1280x1xf32> to vector<1280x128xf32>
    %mul3A_12 = arith.mulf %mul3A, %add3A : vector<1280x128xf32>
    %mul3A_13 = arith.mulf %get3A_1, %get3A_1 : vector<1280x1xf32>
    %get3A_14 = arith.constant 0 : index
    %get3A_15 = arith.constant 0 : index
    %get3A_16 = vector.load %arg2[%get3A_14, %get3A_15] : memref<1280x128xf32, #tpu.memory_space<vmem>>, vector<1280x128xf32>
    %mul3A_17 = vector.broadcast %mul3A_13 : vector<1280x1xf32> to vector<1280x128xf32>
    %mul3A_18 = arith.mulf %mul3A_17, %get3A_16 : vector<1280x128xf32>
    %add3A_19 = arith.addf %mul3A_12, %mul3A_18 : vector<1280x128xf32>
    %get3A_20 = arith.constant 0 : index
    %get3A_21 = arith.constant 0 : index
    %get3A_22 = vector.load %arg4[%get3A_20, %get3A_21] : memref<1x128xf32, #tpu.memory_space<vmem>>, vector<1x128xf32>
    %add3A_23 = vector.broadcast %get3A_22 : vector<1x128xf32> to vector<1280x128xf32>
    %add3A_24 = arith.addf %add3A_19, %add3A_23 : vector<1280x128xf32>
    %max3A = arith.constant 0.000000e+00 : f32
    %max3A_25 = vector.broadcast %max3A : f32 to vector<1280x128xf32>
    %max3A_26 = arith.maximumf %add3A_24, %max3A_25 : vector<1280x128xf32>
    %get3A_27 = arith.constant 0 : index
    %get3A_28 = arith.constant 0 : index
    %get3A_29 = vector.load %arg5[%get3A_27, %get3A_28] : memref<128x128xf32, #tpu.memory_space<vmem>>, vector<128x128xf32>
    %dot_general3A = arith.constant dense<0.000000e+00> : vector<1280x128xf32>
    %dot_general3A_30 = tpu.matmul %max3A_26, %get3A_29, %dot_general3A {dimension_numbers = #tpu.dot_dimension_numbers<[1], [0], [0], [1], [0, 0, 1, 1], [], []>, transpose_lhs_hint = false} : vector<1280x128xf32>, vector<128x128xf32>, vector<1280x128xf32> -> vector<1280x128xf32>
    %swap3A = arith.constant 0 : index
    %swap3A_31 = arith.constant 0 : index
    %swap3A_32 = vector.load %arg6[%swap3A, %swap3A_31] : memref<1280x128xf32, #tpu.memory_space<vmem>>, vector<1280x128xf32>
    tpu.vector_store %arg6[%swap3A, %swap3A_31], %dot_general3A_30 {strides = array<i32>} : memref<1280x128xf32, #tpu.memory_space<vmem>>, vector<1280x128xf32>,
    %mul3A_33 = vector.broadcast %get3A_1 : vector<1280x1xf32> to vector<1280x128xf32>
    %mul3A_34 = arith.mulf %dot_general3A_30, %mul3A_33 : vector<1280x128xf32>
    %swap3A_35 = arith.constant 0 : index
    %swap3A_36 = arith.constant 0 : index
    %swap3A_37 = vector.load %arg7[%swap3A_35, %swap3A_36] : memref<1280x128xf32, #tpu.memory_space<vmem>>, vector<1280x128xf32>
    tpu.vector_store %arg7[%swap3A_35, %swap3A_36], %mul3A_34 {strides = array<i32>} : memref<1280x128xf32, #tpu.memory_space<vmem>>, vector<1280x128xf32>,
    return
  }
  func.func @transform_0(%arg0: i32) -> (i32, i32, i32) {
    %c0_i32 = arith.constant 0 : i32
    %c0_i32_0 = arith.constant 0 : i32
    %c0_i32_1 = arith.constant 0 : i32
    return %c0_i32, %arg0, %c0_i32_0 : i32, i32, i32
  }
  func.func @transform_1(%arg0: i32) -> (i32, i32) {
    %c0_i32 = arith.constant 0 : i32
    %c0_i32_0 = arith.constant 0 : i32
    return %arg0, %c0_i32 : i32, i32
  }
  func.func @transform_2(%arg0: i32) -> (i32, i32) {
    %c0_i32 = arith.constant 0 : i32
    %c0_i32_0 = arith.constant 0 : i32
    return %arg0, %c0_i32 : i32, i32
  }
  func.func @transform_3(%arg0: i32) -> (i32, i32) {
    %c0_i32 = arith.constant 0 : i32
    %c0_i32_0 = arith.constant 0 : i32
    %c0_i32_1 = arith.constant 0 : i32
    return %c0_i32, %c0_i32_0 : i32, i32
  }
  func.func @transform_4(%arg0: i32) -> (i32, i32) {
    %c0_i32 = arith.constant 0 : i32
    %c0_i32_0 = arith.constant 0 : i32
    %c0_i32_1 = arith.constant 0 : i32
    return %c0_i32, %c0_i32_0 : i32, i32
  }
  func.func @transform_5(%arg0: i32) -> (i32, i32) {
    %c0_i32 = arith.constant 0 : i32
    %c0_i32_0 = arith.constant 0 : i32
    return %arg0, %c0_i32 : i32, i32
  }
  func.func @transform_6(%arg0: i32) -> (i32, i32) {
    %c0_i32 = arith.constant 0 : i32
    %c0_i32_0 = arith.constant 0 : i32
    return %arg0, %c0_i32 : i32, i32
  }
}

</mosaic_0001>

<sc_bundles>
// kernel: kernel.11.cloned.1.call-start
scs
__scs_entry_jumppad:
0x0: {  	(pc) =	sbr.rel $0x88, $3  }
0x1: {  	(tag) =	ssettag $0x0;
	lr =	simm.s32 $0x1  }
0x2: {  	[smem:$0x3F9B] =	sst lr;
	_ =	strace $0xD0000000  }
0x3: {  	_ = 	snop  }
0x4: {  	_ = 	snop  }
0x5: {  	_ = 	snop  }
0x6: {  	_ = 	snop  }
0x7: {  	_ = 	snop  }
__scs_overlays_trampoline_lowered:
0x8: {  	[smem:$0x3FAA] =	sst s0  }
0x9: {  	[smem:$0x3FAB] =	sst s1  }
0xa: {  	[smem:$0x3FAC] =	sst s2  }
0xb: {  	[smem:$0x3FAD] =	sst s3  }
0xc: {  	[smem:$0x3FAE] =	sst s4  }
0xd: {  	[smem:$0x3FAF] =	sst s5  }
0xe: {  	[smem:$0x3FB0] =	sst s6  }
0xf: {  	[smem:$0x3FB1] =	sst s7  }
0x10: {  	[smem:$0x3FB2] =	sst s8  }
0x11: {  	[smem:$0x3FB3] =	sst s9;
	s0 =	simm.s32 @!p0 $0x0  }
0x12: {  	s1 =	sld [smem:$0x3F99];
	s0 =	simm.s32 @p0 $0x1  }
0x13: {  	[smem:$0x3FB4] =	sst s0;
	s0 =	simm.s32 @!p1 $0x0  }
0x14: {  	s2 =	sld [smem:$0x3F98];
	s0 =	simm.s32 @p1 $0x1  }
0x15: {  	[smem:$0x3FB5] =	sst s0;
	s0 =	simm.s32 @!p2 $0x0  }
0x16: {  	s3 =	sld [smem:$0x3FDB];
	s0 =	simm.s32 @p2 $0x1  }
0x17: {  	s4 =	simm.s32 $0x1BF5;
	[smem:$0x3FB7] =	sst s0  }
0x18: {  	s0 =	sld [smem:$0x3F9A];
	_ =	swait.ge [sflag:s4], $0x0  }
0x19: {  	s7 =	sld [smem:$0x3F9B]  }
0x1a: {  	s8 =	sadd.s32 $0xFFFFE003, lr  }
0x1b: {  	s9 =	sadd.s32 $0xFFFFFEF7, lr;
	s5 =	simm.s32 $0xFFFFFFFF;
	p2 =	slt.u32 s8, $0xFFFFF086  }
0x1c: {  	p1 =	slt.u32 s9, $0xF7A;
	s5 =	simm.s32 @!p2 $0x0  }
0x1d: {  	s5 =	simm.s32 @p1 $0x1;
	p0 =	seq.s32 s7, s2  }
0x1e: {  	s7 =	smul.u32 @!p0 $0xF7A, s2;
	p2 =	seq.s32 @!p0 s5, $0x0  }
0x1f: {  	s9 =	smul.u32 $0xF7A, s1;
	s8 =	simm.s32 @!p0 $0x1BF5;
	p2 =	por !p2, p0  }
0x20: {  	[sflag:s8] =	ssyncset.s32 @!p0 $0xFFFFF086;
	s6 =	sadd.s32 @!p0 s3, s7;
	s7 =	simm.s32 @!p0 $0x108  }
0x21: {  	s3 =	sadd.s32 s3, s9;
	s6 =	sadd.s32 @!p0 $0x88, s6;
	s7 =	simm.s32 @p2 $0x1082  }
0x22: {  	[simem:s7], [sflag:s8] =	dma.local @!p0 [hbm:s6], $0xF7A  }
0x23: {  	s9 =	sor.u32 $0xD0000000, s2;
	s6 =	simm.s32 $0x108;
	_ =	swait.ge @!p0 [sflag:s8], $0x0  }
0x24: {  	s3 =	sadd.s32 $0x88, s3;
	s6 =	simm.s32 @!p1 $0x1082;
	[sflag:s4] =	ssyncset.s32 $0xFFFFF086  }
0x25: {  	[simem:s6], [sflag:s4] =	dma.local [hbm:s3], $0xF7A  }
0x26: {  	[smem:$0x3F9B] =	sst s1;
	(tag) =	ssettag s2;
	_ =	strace s9  }
0x27: {  	s1 =	sld [smem:$0x3FAB]  }
0x28: {  	s2 =	sld [smem:$0x3FAC]  }
0x29: {  	s4 =	sld [smem:$0x3FAE]  }
0x2a: {  	p0 =	seq.s32 s5, $0x0;
	s5 =	sld [smem:$0x3FAF]  }
0x2b: {  	s6 =	sld [smem:$0x3FB0]  }
0x2c: {  	s7 =	sld [smem:$0x3FB1]  }
0x2d: {  	s3 =	simm.s32 $0x108;
	s8 =	sld [smem:$0x3FB2]  }
0x2e: {  	s3 =	simm.s32 @!p0 $0x1082;
	s9 =	sld [smem:$0x3FB3]  }
0x2f: {  	lr =	sadd.s32 s0, s3;
	s0 =	sld [smem:$0x3FAA]  }
0x30: {  	s3 =	sld [smem:$0x3FAD]  }
0x31: {  	[smem:$0x3FB6] =	sst s10  }
0x32: {  	s10 =	sld [smem:$0x3FB4];
	_ =	sdelay $0x3  }
0x33: {  	p0 =	seq.s32 s10, $0x1;
	s10 =	sld [smem:$0x3FB6];
	_ =	sdelay $0x3  }
0x34: {  	[smem:$0x3FB6] =	sst s10  }
0x35: {  	s10 =	sld [smem:$0x3FB5];
	_ =	sdelay $0x3  }
0x36: {  	p1 =	seq.s32 s10, $0x1;
	s10 =	sld [smem:$0x3FB6];
	_ =	sdelay $0x3  }
0x37: {  	[smem:$0x3FB6] =	sst s10  }
0x38: {  	s10 =	sld [smem:$0x3FB7]  }
0x39: {  	_ = 	snop;
	(pc) =	sbr.ind lr, $3  }
0x3a: {  	_ = 	snop  }
0x3b: {  	_ = 	snop  }
0x3c: {  	p2 =	seq.s32 s10, $0x1;
	s10 =	sld [smem:$0x3FB6]  }
0x3d: {  	_ =	shalt  }
0x3e: {  	_ =	shalt  }
0x3f: {  	_ =	shalt  }
0x40: {  	_ =	shalt  }
0x41: {  	_ =	shalt  }
0x42: {  	_ =	shalt  }
0x43: {  	_ =	shalt  }
0x44: {  	_ =	shalt  }
0x45: {  	_ =	shalt  }
0x46: {  	_ =	shalt  }
0x47: {  	_ =	shalt  }
0x48: {  	_ =	shalt  }
0x49: {  	_ =	shalt  }
0x4a: {  	_ =	shalt  }
0x4b: {  	_ =	shalt  }
0x4c: {  	_ =	shalt  }
0x4d: {  	_ =	shalt  }
0x4e: {  	_ =	shalt  }
0x4f: {  	_ =	shalt  }
0x50: {  	_ =	shalt  }
0x51: {  	_ =	shalt  }
0x52: {  	_ =	shalt  }
0x53: {  	_ =	shalt  }
0x54: {  	_ =	shalt  }
0x55: {  	_ =	shalt  }
0x56: {  	_ =	shalt  }
0x57: {  	_ =	shalt  }
0x58: {  	_ =	shalt  }
0x59: {  	_ =	shalt  }
0x5a: {  	_ =	shalt  }
0x5b: {  	_ =	shalt  }
0x5c: {  	_ =	shalt  }
0x5d: {  	_ =	shalt  }
0x5e: {  	_ =	shalt  }
0x5f: {  	_ =	shalt  }
0x60: {  	_ =	shalt  }
0x61: {  	_ =	shalt  }
0x62: {  	_ =	shalt  }
0x63: {  	_ =	shalt  }
0x64: {  	_ =	shalt  }
0x65: {  	_ =	shalt  }
0x66: {  	_ =	shalt  }
0x67: {  	_ =	shalt  }
0x68: {  	_ =	shalt  }
0x69: {  	_ =	shalt  }
0x6a: {  	_ =	shalt  }
0x6b: {  	_ =	shalt  }
0x6c: {  	_ =	shalt  }
0x6d: {  	_ =	shalt  }
0x6e: {  	_ =	shalt  }
0x6f: {  	_ =	shalt  }
0x70: {  	_ =	shalt  }
0x71: {  	_ =	shalt  }
0x72: {  	_ =	shalt  }
0x73: {  	_ =	shalt  }
0x74: {  	_ =	shalt  }
0x75: {  	_ =	shalt  }
0x76: {  	_ =	shalt  }
0x77: {  	_ =	shalt  }
0x78: {  	_ =	shalt  }
0x79: {  	_ =	shalt  }
0x7a: {  	_ =	shalt  }
0x7b: {  	_ =	shalt  }
0x7c: {  	_ =	shalt  }
0x7d: {  	_ =	shalt  }
0x7e: {  	_ =	shalt  }
0x7f: {  	_ =	shalt  }
0x80: {  	_ =	shalt  }
0x81: {  	_ =	shalt  }
0x82: {  	_ =	shalt  }
0x83: {  	_ =	shalt  }
0x84: {  	_ =	shalt  }
0x85: {  	_ =	shalt  }
0x86: {  	_ =	shalt  }
0x87: {  	_ =	shalt  }
.Lfunc_end0:
.L_simem_size_0:
called_computation.1_lowered:
.L_overlay_start_0:
0x88: {  	s2 =	sld [smem:$0x3FD9]  }
0x89: {  	s3 =	sld [smem:$0x3FFE];
	_ =	sdelay $0x1  }
0x8a: {  	s1 =	srdreg.scid  }
0x8b: {  	s0 =	sand.u32 $0x1, s1  }
0x8c: {  	s17 =	sshll.u32 s0, $0xA;
	s2 =	sadd.s32 s3, s2  }
0x8d: {  	s2 =	sadd.s32 s2, s17  }
0x8e: {  	[smem:$0x3FC2] =	sst s2  }
0x8f: {  	_ = 	snop  }
0x90: {  	s2 =	sld [smem:$0x3FD0];
	(tm) =	ssettm $0x1  }
0x91: {  	s18 =	sld [smem:$0x3FFB];
	_ =	sdelay $0x3  }
0x92: {  	_ =	strace s18  }
0x93: {  	s3 =	sld [smem:$0x3FFC];
	_ =	sdelay $0x3  }
0x94: {  	_ =	strace s3  }
0x95: {  	s3 =	sld [smem:$0x3FFD];
	_ =	sdelay $0x3  }
0x96: {  	_ =	strace s3  }
0x97: {  	_ =	strace $0x8FFFFFFF  }
0x98: {  	s19 =	sld [smem:$0x3FDB];
	_ =	sdelay $0x1  }
0x99: {  	s4 =	simm.s32 $_scs_section_size  }
0x9a: {  	s5 =	simm.s32 $_size__tile_overlayer_lowered;
	s6 =	simm.s32 $_tile_overlayer_lowered  }
0x9b: {  	s22 =	simm.s32 $0x1BFF;
	s21 =	sshll.u32 s6, $0x1;
	s3 =	sadd.s32 s4, s19  }
0x9c: {  	s7 =	simm.s32 $0x0;
	s20 =	sshll.u32 s5, $0x1;
	s5 =	sadd.s32 s21, s3  }
0x9d: {  	[timem:s7], [sflag:s22] =	dma.local [hbm:s5], s20  }
0x9e: {  	_ =	swait.ge [sflag:s22], s20  }
0x9f: {  	s4 =	ssub.s32 $0x0, s20;
	[sflag:s22] =	ssyncset.done $0x0  }
0xa0: {  	[sflag:s22] =	ssyncadd.s32 s4;
	_ =	sdelay $0x1  }
0xa1: {  	s23 =	simm.s32 $0x1B8B  }
0xa2: {  	_ =	swait.ge [sflag:s23], $0x1  }
0xa3: {  	[sflag:s23] =	ssyncset.done $0x0  }
0xa4: {  	s25 =	simm.s32 $0x1B8E;
	s24 =	sld [smem:$0x3FFE];
	[sflag:s23] =	ssyncadd.s32 $0xFFFFFFFF  }
0xa5: {  	s26 =	simm.s32 $execute0_lowered;
	[smem:$0x3FD2] =	sst s25  }
0xa6: {  	s5 =	sshll.u32 s26, $0x1;
	_ =	strace $0x80000049;
	[dreg:$0x1] =	wrdreg $0xFFFFFFFF  }
0xa7: {  	s28 =	simm.s32 $_size_execute0_lowered;
	s3 =	sadd.s32 s3, s5;
	[dreg:$0x0] =	wrdreg $0x0  }
0xa8: {  	s5 =	sshll.u32 s28, $0x1;
	[dreg:$0x2] =	wrdreg s3  }
0xa9: {  	[dreg:$0x3] =	wrdreg s5  }
0xaa: {  	[dreg:$0x4] =	wrdreg $0xC0  }
0xab: {  	_ =	task [dreg:s7], $0x5FFFF  }
0xac: {  	[dreg:$0x1] =	wrdreg $0xFFFFFFFF  }
0xad: {  	[dreg:$0x0] =	wrdreg $0x60  }
0xae: {  	[dreg:$0x2] =	wrdreg s2  }
0xaf: {  	[dreg:$0x3] =	wrdreg s24  }
0xb0: {  	[dreg:$0x4] =	wrdreg $0x41000  }
0xb1: {  	[dreg:$0x5] =	wrdreg $0x9  }
0xb2: {  	_ =	task.clear_ibuf [dreg:s7], $0x6FFFF;
	_ =	strace $0x90000049  }
0xb3: {  	s29 =	simm.s32 $0x9;
	_ =	strace $0x8000004B  }
0xb4: {  	_ =	swait.ge [sflag:s29], $0x1  }
0xb5: {  	[sflag:s29] =	ssyncadd.s32 $0xFFFFFFFF  }
0xb6: {  	_ =	strace $0x9000004B  }
0xb7: {  	_ =	sfence  }
0xb8: {  	s30 =	sld [smem:$0x0];
	_ =	sdelay $0x2  }
0xb9: {  	s31 =	sshll.u32 s1, $0xD;
	s1 =	sshrl.u32 s1, $0x2  }
0xba: {  	s3 =	sand.u32 $0x4000, s31;
	s1 =	sadd.s32 s1, s30  }
0xbb: {  	s0 =	sor.u32 s3, s0;
	s1 =	sshll.u32 s1, $0x11  }
0xbc: {  	s0 =	sor.u32 s1, s0  }
0xbd: {  	s0 =	sadd.s32 $0x8F2B, s0  }
0xbe: {  	[sflag:s0] =	ssyncadd.remote.s32 $0x1  }
0xbf: {  	_ =	sfence.sel $0xFFFF  }
0xc0: {  	[dreg:$0x0] =	wrdreg $0xFFFFFFFF;
	(pc) =	sbr.abs _section_cstart, $3  }
0xc1: {  	[dreg:$0x1] =	wrdreg $0xFFFFFFFF  }
0xc2: {  	_ =	task.clear_ibuf [dreg:s7], $0x2FFFF;
	_ =	strace $0x9FFFFFFF  }
0xc3: {  	(tm) =	ssettm $0x7FFFFFFF  }
tec
execute0_lowered:
.L_overlay_start_1:
0x0: {  	(tag) =	ssettag $0x1  }
0x1: {  	s8 =	rddreg [dreg:$0x0]  }
0x2: {  	s5 =	rddreg [dreg:$0x1]  }
0x3: {  	s2 =	rddreg [dreg:$0x2];
	s1 =	stileid.u32  }
0x4: {  	s0 =	rddreg [dreg:$0x3];
	s3 =	simm.s32 $0x0;
	s9 =	smul.u32 $0x9E0, s1  }
0x5: {  	s4 =	srdreg.scid;
	s16 =	simm.s32 $0x0;
	s6 =	smul.u32 $0x2800, s1  }
0x6: {  	[smem:$0x7FF] =	sst s3;
	s7 =	sand.u32 $0x1, s4;
	s14 =	smul.u32 $0x50000, s1  }
0x7: {  	s4 =	sadd.s32 $0xBA00, s5;
	s28 =	sshll.u32 s1, $0x6;
	s10 =	smul.u32 $0x28000, s7  }
0x8: {  	_ =	strace $0x8000004A;
	s12 =	ssub.s32 $0x2, s7;
	s29 =	smul.u32 $0x4F0, s7  }
0x9: {  	s11 =	sadd.s32 s9, s5;
	s13 =	sshrl.u32 s12, $0x1;
	s26 =	sshrl.u32 s14, $0x2  }
0xa: {  	s31 =	sadd.s32 s9, s8;
	s14 =	simm.s32 $0x100;
	s10 =	sadd.s32 s6, s10  }
0xb: {  	s6 =	sadd.s32 s6, s5;
	s12 =	ssub.s32 s12, s13;
	s15 =	sadd.s32 s26, s2  }
0xc: {  	s30 =	sadd.s32 s29, s11;
	s13 =	simm.s32 $0x80;
	s10 =	sadd.s32 s10, s5  }
0xd: {  	s5 =	sadd.s32 $0x33A00, s6;
	s6 =	sor.u32 $0x1C02, s28;
	s8 =	smax.u32 s12, $0x1  }
0xe: {  	s9 =	sadd.s32 $0x1C00, s30;
	s11 =	sshrl.u32 s15, $0x3;
	s12 =	simm.s32 $0x2  }
0xf: {  	s15 =	simm.s32 $0x1;
	s7 =	sadd.s32 $0x5BA00, s10;
	s10 =	sadd.s32 s29, s31  }
.LBB2_1:
0x10: {  	[spmem:s11], [sflag:s6] =	dma.local [hbm:s5], $0x2800  }
0x11: {  	_ =	swait.ge [sflag:s12], $0x2800  }
0x12: {  	[sflag:s12] =	ssyncset.done $0x0  }
0x13: {  	[sflag:s12] =	ssyncadd.s32 $0xFFFFD800  }
0x14: {  	s17 =	sadd.s32 $0x0, s10;
	[bflag:$0x0] =	sbarrier.arrive $0xFFFF  }
0x15: {  	[tilespmem:s3], [sflag:$0x2] =	stream.linear.gather [hbm4b:s17+s3], $0x80, $0x38;
	[tilespmem:$0x18100] =	vst v63  }
0x16: {  	_ =	swait.ge [sflag:s12], $0x80  }
0x17: {  	[sflag:s12] =	ssyncset.done $0x0  }
0x18: {  	s31 =	sadd.s32 $0x0, s9;
	[sflag:s12] =	ssyncadd.s32 $0xFFFFFF80  }
0x19: {  	[tilespmem:s13], [sflag:$0x2] =	stream.linear.gather [hbm4b:s31+s3], $0x80, $0x38;
	[tilespmem:$0x18100] =	vst v63  }
0x1a: {  	_ =	swait.ge [sflag:s12], $0x80  }
0x1b: {  	[sflag:s12] =	ssyncset.done $0x0  }
0x1c: {  	[sflag:s12] =	ssyncadd.s32 $0xFFFFFF80  }
0x1d: {  	[tilespmem:s14], [sflag:$0x1] =	stream.indirect.gather [hbm4b:s4+s13], $0x80, s3, s13, $0xb8;
	[tilespmem:$0x18100] =	vst v63  }
0x1e: {  	_ =	swait.ge [sflag:s15], $0x4000  }
0x1f: {  	[sflag:s15] =	ssyncset.done $0x0  }
0x20: {  	[sflag:s15] =	ssyncadd.s32 $0xFFFFC000  }
0x21: {  	[spmem:s2] =	stream.indirect.scatter.add.f32 [tilespmem:s14], [sflag:$0x2], $0x80, s13, s13, $0xb8;
	[tilespmem:$0x18100] =	vst v63  }
0x22: {  	_ =	swait.ge [sflag:s12], $0x4000  }
0x23: {  	s18 =	simm.s32 $0x20;
	s17 =	simm.s32 $0x10;
	[sflag:s12] =	ssyncset.done $0x0  }
.LBB2_2:
0x24: {  	s19 =	sadd.s32 s17, s10  }
0x25: {  	[sflag:s12] =	ssyncadd.s32 $0xFFFFC000;
	s20 =	smov.u32 s18;
	s21 =	sadd.s32 $0x10, s18  }
0x26: {  	[tilespmem:s3], [sflag:$0x2] =	stream.linear.gather [hbm4b:s19+s3], $0x80, $0x38;
	[tilespmem:$0x18100] =	vst v63  }
0x27: {  	p0 =	sne.s32 s18, $0x4E0;
	_ =	swait.ge [sflag:s12], $0x80  }
0x28: {  	[sflag:s12] =	ssyncset.done $0x0  }
0x29: {  	s18 =	sadd.s32 s17, s9;
	s17 =	smov.u32 s20;
	[sflag:s12] =	ssyncadd.s32 $0xFFFFFF80  }
0x2a: {  	[tilespmem:s13], [sflag:$0x2] =	stream.linear.gather [hbm4b:s18+s3], $0x80, $0x38;
	[tilespmem:$0x18100] =	vst v63  }
0x2b: {  	_ =	swait.ge [sflag:s12], $0x80  }
0x2c: {  	[sflag:s12] =	ssyncset.done $0x0  }
0x2d: {  	[sflag:s12] =	ssyncadd.s32 $0xFFFFFF80  }
0x2e: {  	[tilespmem:s14], [sflag:$0x1] =	stream.indirect.gather [hbm4b:s4+s13], $0x80, s3, s13, $0xb8;
	[tilespmem:$0x18100] =	vst v63  }
0x2f: {  	_ =	swait.ge [sflag:s15], $0x4000  }
.Ltmp0:
0x30: {  	[sflag:s15] =	ssyncset.done $0x0;
	(pc) =	sbr.rel @p0 .LBB2_2-.Ltmp0, $4  }
0x31: {  	[sflag:s15] =	ssyncadd.s32 $0xFFFFC000  }
0x32: {  	[spmem:s2] =	stream.indirect.scatter.add.f32 [tilespmem:s14], [sflag:$0x2], $0x80, s13, s13, $0xb8;
	[tilespmem:$0x18100] =	vst v63  }
0x33: {  	_ =	swait.ge [sflag:s12], $0x4000  }
0x34: {  	s18 =	smov.u32 s21;
	[sflag:s12] =	ssyncset.done $0x0  }
0x35: {  	s18 =	sadd.s32 s17, s10;
	[sflag:s12] =	ssyncadd.s32 $0xFFFFC000  }
0x36: {  	[tilespmem:s3], [sflag:$0x2] =	stream.linear.gather [hbm4b:s18+s3], $0x80, $0x38;
	[tilespmem:$0x18100] =	vst v63  }
0x37: {  	_ =	swait.ge [sflag:s12], $0x80  }
0x38: {  	[sflag:s12] =	ssyncset.done $0x0  }
0x39: {  	s31 =	sadd.s32 s17, s9;
	[sflag:s12] =	ssyncadd.s32 $0xFFFFFF80  }
0x3a: {  	[tilespmem:s13], [sflag:$0x2] =	stream.linear.gather [hbm4b:s31+s3], $0x80, $0x38;
	[tilespmem:$0x18100] =	vst v63  }
0x3b: {  	_ =	swait.ge [sflag:s12], $0x80  }
0x3c: {  	[sflag:s12] =	ssyncset.done $0x0  }
0x3d: {  	[sflag:s12] =	ssyncadd.s32 $0xFFFFFF80  }
0x3e: {  	[tilespmem:s14], [sflag:$0x1] =	stream.indirect.gather [hbm4b:s4+s13], $0x80, s3, s13, $0xb8;
	[tilespmem:$0x18100] =	vst v63  }
0x3f: {  	_ =	swait.ge [sflag:s15], $0x4000  }
0x40: {  	[sflag:s15] =	ssyncset.done $0x0  }
0x41: {  	[sflag:s15] =	ssyncadd.s32 $0xFFFFC000  }
0x42: {  	[spmem:s2] =	stream.indirect.scatter.add.f32 [tilespmem:s14], [sflag:$0x2], $0x80, s13, s13, $0xb8;
	[tilespmem:$0x18100] =	vst v63  }
0x43: {  	_ =	swait.ge [sflag:s12], $0x4000  }
0x44: {  	s16 =	sadd.s32 $0x1, s16;
	[sflag:s12] =	ssyncset.done $0x0  }
0x45: {  	p0 =	sne.s32 s16, s8;
	[sflag:s12] =	ssyncadd.s32 $0xFFFFC000  }
.Ltmp1:
0x46: {  	[bflag:$0x0] =	sbarrier.arrive $0xFFFF;
	(pc) =	sbr.rel @p0 .LBB2_1-.Ltmp1, $4  }
0x47: {  	[hbm:s7], [sflag:s6] =	dma.local [spmem:s11], $0x2800  }
0x48: {  	_ =	swait.ge [sflag:s12], $0x2800  }
0x49: {  	[sflag:s12] =	ssyncset.done $0x0  }
0x4a: {  	[sflag:s12] =	ssyncadd.s32 $0xFFFFD800  }
0x4b: {  	_ =	sfence.sel $0x180000  }
0x4c: {  	[bflag:$0x0] =	sbarrier.arrive $0xFFFF  }
0x4d: {  	p0 =	sne.s32 s1, $0x0;
	_ =	strace $0x9000004A  }
0x4e: {  	s0 =	sadd.s32 @!p0 $0x100000, s0;
	[bflag:$0x2] =	sbarrier.arrive $0xFFFF  }
0x4f: {  	[sflag:s0] =	ssyncadd.tile.s32 @!p0 $0x1;
	_ =	shalt  }
.Lfunc_end2:
_tile_overlayer_lowered:
.L_overlay_start_2:
0x50: {  	(tag) =	ssettag $0x2  }
0x51: {  	s0 =	rddreg [dreg:$0x0];
	s2 =	stileid.u32  }
0x52: {  	s1 =	rddreg [dreg:$0x1];
	p0 =	sne.s32 s2, $0x0  }
0x53: {  	s3 =	rddreg [dreg:$0x2];
	[bflag:$0x3] =	sbarrier.arrive $0xFFFF;
	s2 =	simm.s32 @!p0 $0x1C02  }
0x54: {  	[timem:s3], [sflag:s2] =	dma.local @!p0 [hbm:s0], s1  }
0x55: {  	s0 =	simm.s32 @!p0 $0x2  }
0x56: {  	_ =	swait.ge @!p0 [sflag:s0], s1  }
0x57: {  	s1 =	ssub.s32 @!p0 $0x0, s1;
	[sflag:s0] =	ssyncset.done @!p0 $0x0  }
0x58: {  	[sflag:s0] =	ssyncadd.s32 @!p0 s1  }
0x59: {  	[bflag:$0x3] =	sbarrier.arrive $0xFFFF  }
0x5a: {  	_ =	shalt  }

// kernel: kernel.14.cloned.1.call-start
scs
__scs_entry_jumppad:
0x0: {  	(pc) =	sbr.rel $0x88, $3  }
0x1: {  	(tag) =	ssettag $0x0;
	lr =	simm.s32 $0x1  }
0x2: {  	[smem:$0x3F9B] =	sst lr;
	_ =	strace $0xD0000000  }
0x3: {  	_ = 	snop  }
0x4: {  	_ = 	snop  }
0x5: {  	_ = 	snop  }
0x6: {  	_ = 	snop  }
0x7: {  	_ = 	snop  }
__scs_overlays_trampoline_lowered:
0x8: {  	[smem:$0x3FAA] =	sst s0  }
0x9: {  	[smem:$0x3FAB] =	sst s1  }
0xa: {  	[smem:$0x3FAC] =	sst s2  }
0xb: {  	[smem:$0x3FAD] =	sst s3  }
0xc: {  	[smem:$0x3FAE] =	sst s4  }
0xd: {  	[smem:$0x3FAF] =	sst s5  }
0xe: {  	[smem:$0x3FB0] =	sst s6  }
0xf: {  	[smem:$0x3FB1] =	sst s7  }
0x10: {  	[smem:$0x3FB2] =	sst s8  }
0x11: {  	[smem:$0x3FB3] =	sst s9;
	s0 =	simm.s32 @!p0 $0x0  }
0x12: {  	s1 =	sld [smem:$0x3F99];
	s0 =	simm.s32 @p0 $0x1  }
0x13: {  	[smem:$0x3FB4] =	sst s0;
	s0 =	simm.s32 @!p1 $0x0  }
0x14: {  	s2 =	sld [smem:$0x3F98];
	s0 =	simm.s32 @p1 $0x1  }
0x15: {  	[smem:$0x3FB5] =	sst s0;
	s0 =	simm.s32 @!p2 $0x0  }
0x16: {  	s3 =	sld [smem:$0x3FDB];
	s0 =	simm.s32 @p2 $0x1  }
0x17: {  	s4 =	simm.s32 $0x1BF5;
	[smem:$0x3FB7] =	sst s0  }
0x18: {  	s0 =	sld [smem:$0x3F9A];
	_ =	swait.ge [sflag:s4], $0x0  }
0x19: {  	s7 =	sld [smem:$0x3F9B]  }
0x1a: {  	s8 =	sadd.s32 $0xFFFFE003, lr  }
0x1b: {  	s9 =	sadd.s32 $0xFFFFFEF7, lr;
	s5 =	simm.s32 $0xFFFFFFFF;
	p2 =	slt.u32 s8, $0xFFFFF086  }
0x1c: {  	p1 =	slt.u32 s9, $0xF7A;
	s5 =	simm.s32 @!p2 $0x0  }
0x1d: {  	s5 =	simm.s32 @p1 $0x1;
	p0 =	seq.s32 s7, s2  }
0x1e: {  	s7 =	smul.u32 @!p0 $0xF7A, s2;
	p2 =	seq.s32 @!p0 s5, $0x0  }
0x1f: {  	s9 =	smul.u32 $0xF7A, s1;
	s8 =	simm.s32 @!p0 $0x1BF5;
	p2 =	por !p2, p0  }
0x20: {  	[sflag:s8] =	ssyncset.s32 @!p0 $0xFFFFF086;
	s6 =	sadd.s32 @!p0 s3, s7;
	s7 =	simm.s32 @!p0 $0x108  }
0x21: {  	s3 =	sadd.s32 s3, s9;
	s6 =	sadd.s32 @!p0 $0x88, s6;
	s7 =	simm.s32 @p2 $0x1082  }
0x22: {  	[simem:s7], [sflag:s8] =	dma.local @!p0 [hbm:s6], $0xF7A  }
0x23: {  	s9 =	sor.u32 $0xD0000000, s2;
	s6 =	simm.s32 $0x108;
	_ =	swait.ge @!p0 [sflag:s8], $0x0  }
0x24: {  	s3 =	sadd.s32 $0x88, s3;
	s6 =	simm.s32 @!p1 $0x1082;
	[sflag:s4] =	ssyncset.s32 $0xFFFFF086  }
0x25: {  	[simem:s6], [sflag:s4] =	dma.local [hbm:s3], $0xF7A  }
0x26: {  	[smem:$0x3F9B] =	sst s1;
	(tag) =	ssettag s2;
	_ =	strace s9  }
0x27: {  	s1 =	sld [smem:$0x3FAB]  }
0x28: {  	s2 =	sld [smem:$0x3FAC]  }
0x29: {  	s4 =	sld [smem:$0x3FAE]  }
0x2a: {  	p0 =	seq.s32 s5, $0x0;
	s5 =	sld [smem:$0x3FAF]  }
0x2b: {  	s6 =	sld [smem:$0x3FB0]  }
0x2c: {  	s7 =	sld [smem:$0x3FB1]  }
0x2d: {  	s3 =	simm.s32 $0x108;
	s8 =	sld [smem:$0x3FB2]  }
0x2e: {  	s3 =	simm.s32 @!p0 $0x1082;
	s9 =	sld [smem:$0x3FB3]  }
0x2f: {  	lr =	sadd.s32 s0, s3;
	s0 =	sld [smem:$0x3FAA]  }
0x30: {  	s3 =	sld [smem:$0x3FAD]  }
0x31: {  	[smem:$0x3FB6] =	sst s10  }
0x32: {  	s10 =	sld [smem:$0x3FB4];
	_ =	sdelay $0x3  }
0x33: {  	p0 =	seq.s32 s10, $0x1;
	s10 =	sld [smem:$0x3FB6];
	_ =	sdelay $0x3  }
0x34: {  	[smem:$0x3FB6] =	sst s10  }
0x35: {  	s10 =	sld [smem:$0x3FB5];
	_ =	sdelay $0x3  }
0x36: {  	p1 =	seq.s32 s10, $0x1;
	s10 =	sld [smem:$0x3FB6];
	_ =	sdelay $0x3  }
0x37: {  	[smem:$0x3FB6] =	sst s10  }
0x38: {  	s10 =	sld [smem:$0x3FB7]  }
0x39: {  	_ = 	snop;
	(pc) =	sbr.ind lr, $3  }
0x3a: {  	_ = 	snop  }
0x3b: {  	_ = 	snop  }
0x3c: {  	p2 =	seq.s32 s10, $0x1;
	s10 =	sld [smem:$0x3FB6]  }
0x3d: {  	_ =	shalt  }
0x3e: {  	_ =	shalt  }
0x3f: {  	_ =	shalt  }
0x40: {  	_ =	shalt  }
0x41: {  	_ =	shalt  }
0x42: {  	_ =	shalt  }
0x43: {  	_ =	shalt  }
0x44: {  	_ =	shalt  }
0x45: {  	_ =	shalt  }
0x46: {  	_ =	shalt  }
0x47: {  	_ =	shalt  }
0x48: {  	_ =	shalt  }
0x49: {  	_ =	shalt  }
0x4a: {  	_ =	shalt  }
0x4b: {  	_ =	shalt  }
0x4c: {  	_ =	shalt  }
0x4d: {  	_ =	shalt  }
0x4e: {  	_ =	shalt  }
0x4f: {  	_ =	shalt  }
0x50: {  	_ =	shalt  }
0x51: {  	_ =	shalt  }
0x52: {  	_ =	shalt  }
0x53: {  	_ =	shalt  }
0x54: {  	_ =	shalt  }
0x55: {  	_ =	shalt  }
0x56: {  	_ =	shalt  }
0x57: {  	_ =	shalt  }
0x58: {  	_ =	shalt  }
0x59: {  	_ =	shalt  }
0x5a: {  	_ =	shalt  }
0x5b: {  	_ =	shalt  }
0x5c: {  	_ =	shalt  }
0x5d: {  	_ =	shalt  }
0x5e: {  	_ =	shalt  }
0x5f: {  	_ =	shalt  }
0x60: {  	_ =	shalt  }
0x61: {  	_ =	shalt  }
0x62: {  	_ =	shalt  }
0x63: {  	_ =	shalt  }
0x64: {  	_ =	shalt  }
0x65: {  	_ =	shalt  }
0x66: {  	_ =	shalt  }
0x67: {  	_ =	shalt  }
0x68: {  	_ =	shalt  }
0x69: {  	_ =	shalt  }
0x6a: {  	_ =	shalt  }
0x6b: {  	_ =	shalt  }
0x6c: {  	_ =	shalt  }
0x6d: {  	_ =	shalt  }
0x6e: {  	_ =	shalt  }
0x6f: {  	_ =	shalt  }
0x70: {  	_ =	shalt  }
0x71: {  	_ =	shalt  }
0x72: {  	_ =	shalt  }
0x73: {  	_ =	shalt  }
0x74: {  	_ =	shalt  }
0x75: {  	_ =	shalt  }
0x76: {  	_ =	shalt  }
0x77: {  	_ =	shalt  }
0x78: {  	_ =	shalt  }
0x79: {  	_ =	shalt  }
0x7a: {  	_ =	shalt  }
0x7b: {  	_ =	shalt  }
0x7c: {  	_ =	shalt  }
0x7d: {  	_ =	shalt  }
0x7e: {  	_ =	shalt  }
0x7f: {  	_ =	shalt  }
0x80: {  	_ =	shalt  }
0x81: {  	_ =	shalt  }
0x82: {  	_ =	shalt  }
0x83: {  	_ =	shalt  }
0x84: {  	_ =	shalt  }
0x85: {  	_ =	shalt  }
0x86: {  	_ =	shalt  }
0x87: {  	_ =	shalt  }
.Lfunc_end0:
.L_simem_size_0:
called_computation.2_lowered:
.L_overlay_start_0:
0x88: {  	s2 =	sld [smem:$0x3FD9]  }
0x89: {  	s3 =	sld [smem:$0x3FFE];
	_ =	sdelay $0x1  }
0x8a: {  	s1 =	srdreg.scid  }
0x8b: {  	s0 =	sand.u32 $0x1, s1  }
0x8c: {  	s17 =	sshll.u32 s0, $0xA;
	s2 =	sadd.s32 s3, s2  }
0x8d: {  	s2 =	sadd.s32 s2, s17  }
0x8e: {  	[smem:$0x3FC2] =	sst s2  }
0x8f: {  	_ = 	snop  }
0x90: {  	s2 =	sld [smem:$0x3FD0];
	(tm) =	ssettm $0x1  }
0x91: {  	s18 =	sld [smem:$0x3FFB];
	_ =	sdelay $0x3  }
0x92: {  	_ =	strace s18  }
0x93: {  	s3 =	sld [smem:$0x3FFC];
	_ =	sdelay $0x3  }
0x94: {  	_ =	strace s3  }
0x95: {  	s3 =	sld [smem:$0x3FFD];
	_ =	sdelay $0x3  }
0x96: {  	_ =	strace s3  }
0x97: {  	_ =	strace $0x8FFFFFFF  }
0x98: {  	s19 =	sld [smem:$0x3FDB];
	_ =	sdelay $0x1  }
0x99: {  	s4 =	simm.s32 $_scs_section_size  }
0x9a: {  	s5 =	simm.s32 $_size__tile_overlayer_lowered;
	s6 =	simm.s32 $_tile_overlayer_lowered  }
0x9b: {  	s22 =	simm.s32 $0x1BFF;
	s21 =	sshll.u32 s6, $0x1;
	s3 =	sadd.s32 s4, s19  }
0x9c: {  	s7 =	simm.s32 $0x0;
	s20 =	sshll.u32 s5, $0x1;
	s5 =	sadd.s32 s21, s3  }
0x9d: {  	[timem:s7], [sflag:s22] =	dma.local [hbm:s5], s20  }
0x9e: {  	_ =	swait.ge [sflag:s22], s20  }
0x9f: {  	s4 =	ssub.s32 $0x0, s20;
	[sflag:s22] =	ssyncset.done $0x0  }
0xa0: {  	[sflag:s22] =	ssyncadd.s32 s4;
	_ =	sdelay $0x1  }
0xa1: {  	s23 =	simm.s32 $0x1B8B  }
0xa2: {  	_ =	swait.ge [sflag:s23], $0x1  }
0xa3: {  	[sflag:s23] =	ssyncset.done $0x0  }
0xa4: {  	s25 =	simm.s32 $0x1B8E;
	s24 =	sld [smem:$0x3FFE];
	[sflag:s23] =	ssyncadd.s32 $0xFFFFFFFF  }
0xa5: {  	s26 =	simm.s32 $execute0_lowered;
	[smem:$0x3FD2] =	sst s25  }
0xa6: {  	s5 =	sshll.u32 s26, $0x1;
	_ =	strace $0x8000004C;
	[dreg:$0x1] =	wrdreg $0xFFFFFFFF  }
0xa7: {  	s28 =	simm.s32 $_size_execute0_lowered;
	s3 =	sadd.s32 s3, s5;
	[dreg:$0x0] =	wrdreg $0x0  }
0xa8: {  	s5 =	sshll.u32 s28, $0x1;
	[dreg:$0x2] =	wrdreg s3  }
0xa9: {  	[dreg:$0x3] =	wrdreg s5  }
0xaa: {  	[dreg:$0x4] =	wrdreg $0xC0  }
0xab: {  	_ =	task [dreg:s7], $0x5FFFF  }
0xac: {  	[dreg:$0x1] =	wrdreg $0xFFFFFFFF  }
0xad: {  	[dreg:$0x0] =	wrdreg $0x60  }
0xae: {  	[dreg:$0x2] =	wrdreg s2  }
0xaf: {  	[dreg:$0x3] =	wrdreg s24  }
0xb0: {  	[dreg:$0x4] =	wrdreg $0x41000  }
0xb1: {  	[dreg:$0x5] =	wrdreg $0x9  }
0xb2: {  	_ =	task.clear_ibuf [dreg:s7], $0x6FFFF;
	_ =	strace $0x9000004C  }
0xb3: {  	s29 =	simm.s32 $0x9;
	_ =	strace $0x8000004E  }
0xb4: {  	_ =	swait.ge [sflag:s29], $0x1  }
0xb5: {  	[sflag:s29] =	ssyncadd.s32 $0xFFFFFFFF  }
0xb6: {  	_ =	strace $0x9000004E  }
0xb7: {  	_ =	sfence  }
0xb8: {  	s30 =	sld [smem:$0x0];
	_ =	sdelay $0x2  }
0xb9: {  	s31 =	sshll.u32 s1, $0xD;
	s1 =	sshrl.u32 s1, $0x2  }
0xba: {  	s3 =	sand.u32 $0x4000, s31;
	s1 =	sadd.s32 s1, s30  }
0xbb: {  	s0 =	sor.u32 s3, s0;
	s1 =	sshll.u32 s1, $0x11  }
0xbc: {  	s0 =	sor.u32 s1, s0  }
0xbd: {  	s0 =	sadd.s32 $0x8F2B, s0  }
0xbe: {  	[sflag:s0] =	ssyncadd.remote.s32 $0x1  }
0xbf: {  	_ =	sfence.sel $0xFFFF  }
0xc0: {  	[dreg:$0x0] =	wrdreg $0xFFFFFFFF;
	(pc) =	sbr.abs _section_cstart, $3  }
0xc1: {  	[dreg:$0x1] =	wrdreg $0xFFFFFFFF  }
0xc2: {  	_ =	task.clear_ibuf [dreg:s7], $0x2FFFF;
	_ =	strace $0x9FFFFFFF  }
0xc3: {  	(tm) =	ssettm $0x7FFFFFFF  }
tec
execute0_lowered:
.L_overlay_start_1:
0x0: {  	(tag) =	ssettag $0x1  }
0x1: {  	s8 =	rddreg [dreg:$0x0]  }
0x2: {  	s5 =	rddreg [dreg:$0x1]  }
0x3: {  	s2 =	rddreg [dreg:$0x2];
	s1 =	stileid.u32  }
0x4: {  	s0 =	rddreg [dreg:$0x3];
	s3 =	simm.s32 $0x0;
	s9 =	smul.u32 $0x9E0, s1  }
0x5: {  	s4 =	srdreg.scid;
	s16 =	simm.s32 $0x0;
	s6 =	smul.u32 $0x2800, s1  }
0x6: {  	[smem:$0x7FF] =	sst s3;
	s7 =	sand.u32 $0x1, s4;
	s14 =	smul.u32 $0x50000, s1  }
0x7: {  	s4 =	sadd.s32 $0xBA00, s5;
	s28 =	sshll.u32 s1, $0x6;
	s10 =	smul.u32 $0x28000, s7  }
0x8: {  	_ =	strace $0x8000004D;
	s12 =	ssub.s32 $0x2, s7;
	s29 =	smul.u32 $0x4F0, s7  }
0x9: {  	s11 =	sadd.s32 s9, s5;
	s13 =	sshrl.u32 s12, $0x1;
	s26 =	sshrl.u32 s14, $0x2  }
0xa: {  	s31 =	sadd.s32 s9, s8;
	s14 =	simm.s32 $0x100;
	s10 =	sadd.s32 s6, s10  }
0xb: {  	s6 =	sadd.s32 s6, s5;
	s12 =	ssub.s32 s12, s13;
	s15 =	sadd.s32 s26, s2  }
0xc: {  	s30 =	sadd.s32 s29, s11;
	s13 =	simm.s32 $0x80;
	s10 =	sadd.s32 s10, s5  }
0xd: {  	s5 =	sadd.s32 $0x33A00, s6;
	s6 =	sor.u32 $0x1C02, s28;
	s8 =	smax.u32 s12, $0x1  }
0xe: {  	s9 =	sadd.s32 $0x1C00, s30;
	s11 =	sshrl.u32 s15, $0x3;
	s12 =	simm.s32 $0x2  }
0xf: {  	s15 =	simm.s32 $0x1;
	s7 =	sadd.s32 $0x5BA00, s10;
	s10 =	sadd.s32 s29, s31  }
.LBB2_1:
0x10: {  	[spmem:s11], [sflag:s6] =	dma.local [hbm:s5], $0x2800  }
0x11: {  	_ =	swait.ge [sflag:s12], $0x2800  }
0x12: {  	[sflag:s12] =	ssyncset.done $0x0  }
0x13: {  	[sflag:s12] =	ssyncadd.s32 $0xFFFFD800  }
0x14: {  	s17 =	sadd.s32 $0x0, s10;
	[bflag:$0x0] =	sbarrier.arrive $0xFFFF  }
0x15: {  	[tilespmem:s3], [sflag:$0x2] =	stream.linear.gather [hbm4b:s17+s3], $0x80, $0x38;
	[tilespmem:$0x18100] =	vst v63  }
0x16: {  	_ =	swait.ge [sflag:s12], $0x80  }
0x17: {  	[sflag:s12] =	ssyncset.done $0x0  }
0x18: {  	s31 =	sadd.s32 $0x0, s9;
	[sflag:s12] =	ssyncadd.s32 $0xFFFFFF80  }
0x19: {  	[tilespmem:s13], [sflag:$0x2] =	stream.linear.gather [hbm4b:s31+s3], $0x80, $0x38;
	[tilespmem:$0x18100] =	vst v63  }
0x1a: {  	_ =	swait.ge [sflag:s12], $0x80  }
0x1b: {  	[sflag:s12] =	ssyncset.done $0x0  }
0x1c: {  	[sflag:s12] =	ssyncadd.s32 $0xFFFFFF80  }
0x1d: {  	[tilespmem:s14], [sflag:$0x1] =	stream.indirect.gather [hbm4b:s4+s13], $0x80, s3, s13, $0xb8;
	[tilespmem:$0x18100] =	vst v63  }
0x1e: {  	_ =	swait.ge [sflag:s15], $0x4000  }
0x1f: {  	[sflag:s15] =	ssyncset.done $0x0  }
0x20: {  	[sflag:s15] =	ssyncadd.s32 $0xFFFFC000  }
0x21: {  	[spmem:s2] =	stream.indirect.scatter.add.f32 [tilespmem:s14], [sflag:$0x2], $0x80, s13, s13, $0xb8;
	[tilespmem:$0x18100] =	vst v63  }
0x22: {  	_ =	swait.ge [sflag:s12], $0x4000  }
0x23: {  	s18 =	simm.s32 $0x20;
	s17 =	simm.s32 $0x10;
	[sflag:s12] =	ssyncset.done $0x0  }
.LBB2_2:
0x24: {  	s19 =	sadd.s32 s17, s10  }
0x25: {  	[sflag:s12] =	ssyncadd.s32 $0xFFFFC000;
	s20 =	smov.u32 s18;
	s21 =	sadd.s32 $0x10, s18  }
0x26: {  	[tilespmem:s3], [sflag:$0x2] =	stream.linear.gather [hbm4b:s19+s3], $0x80, $0x38;
	[tilespmem:$0x18100] =	vst v63  }
0x27: {  	p0 =	sne.s32 s18, $0x4E0;
	_ =	swait.ge [sflag:s12], $0x80  }
0x28: {  	[sflag:s12] =	ssyncset.done $0x0  }
0x29: {  	s18 =	sadd.s32 s17, s9;
	s17 =	smov.u32 s20;
	[sflag:s12] =	ssyncadd.s32 $0xFFFFFF80  }
0x2a: {  	[tilespmem:s13], [sflag:$0x2] =	stream.linear.gather [hbm4b:s18+s3], $0x80, $0x38;
	[tilespmem:$0x18100] =	vst v63  }
0x2b: {  	_ =	swait.ge [sflag:s12], $0x80  }
0x2c: {  	[sflag:s12] =	ssyncset.done $0x0  }
0x2d: {  	[sflag:s12] =	ssyncadd.s32 $0xFFFFFF80  }
0x2e: {  	[tilespmem:s14], [sflag:$0x1] =	stream.indirect.gather [hbm4b:s4+s13], $0x80, s3, s13, $0xb8;
	[tilespmem:$0x18100] =	vst v63  }
0x2f: {  	_ =	swait.ge [sflag:s15], $0x4000  }
.Ltmp0:
0x30: {  	[sflag:s15] =	ssyncset.done $0x0;
	(pc) =	sbr.rel @p0 .LBB2_2-.Ltmp0, $4  }
0x31: {  	[sflag:s15] =	ssyncadd.s32 $0xFFFFC000  }
0x32: {  	[spmem:s2] =	stream.indirect.scatter.add.f32 [tilespmem:s14], [sflag:$0x2], $0x80, s13, s13, $0xb8;
	[tilespmem:$0x18100] =	vst v63  }
0x33: {  	_ =	swait.ge [sflag:s12], $0x4000  }
0x34: {  	s18 =	smov.u32 s21;
	[sflag:s12] =	ssyncset.done $0x0  }
0x35: {  	s18 =	sadd.s32 s17, s10;
	[sflag:s12] =	ssyncadd.s32 $0xFFFFC000  }
0x36: {  	[tilespmem:s3], [sflag:$0x2] =	stream.linear.gather [hbm4b:s18+s3], $0x80, $0x38;
	[tilespmem:$0x18100] =	vst v63  }
0x37: {  	_ =	swait.ge [sflag:s12], $0x80  }
0x38: {  	[sflag:s12] =	ssyncset.done $0x0  }
0x39: {  	s31 =	sadd.s32 s17, s9;
	[sflag:s12] =	ssyncadd.s32 $0xFFFFFF80  }
0x3a: {  	[tilespmem:s13], [sflag:$0x2] =	stream.linear.gather [hbm4b:s31+s3], $0x80, $0x38;
	[tilespmem:$0x18100] =	vst v63  }
0x3b: {  	_ =	swait.ge [sflag:s12], $0x80  }
0x3c: {  	[sflag:s12] =	ssyncset.done $0x0  }
0x3d: {  	[sflag:s12] =	ssyncadd.s32 $0xFFFFFF80  }
0x3e: {  	[tilespmem:s14], [sflag:$0x1] =	stream.indirect.gather [hbm4b:s4+s13], $0x80, s3, s13, $0xb8;
	[tilespmem:$0x18100] =	vst v63  }
0x3f: {  	_ =	swait.ge [sflag:s15], $0x4000  }
0x40: {  	[sflag:s15] =	ssyncset.done $0x0  }
0x41: {  	[sflag:s15] =	ssyncadd.s32 $0xFFFFC000  }
0x42: {  	[spmem:s2] =	stream.indirect.scatter.add.f32 [tilespmem:s14], [sflag:$0x2], $0x80, s13, s13, $0xb8;
	[tilespmem:$0x18100] =	vst v63  }
0x43: {  	_ =	swait.ge [sflag:s12], $0x4000  }
0x44: {  	s16 =	sadd.s32 $0x1, s16;
	[sflag:s12] =	ssyncset.done $0x0  }
0x45: {  	p0 =	sne.s32 s16, s8;
	[sflag:s12] =	ssyncadd.s32 $0xFFFFC000  }
.Ltmp1:
0x46: {  	[bflag:$0x0] =	sbarrier.arrive $0xFFFF;
	(pc) =	sbr.rel @p0 .LBB2_1-.Ltmp1, $4  }
0x47: {  	[hbm:s7], [sflag:s6] =	dma.local [spmem:s11], $0x2800  }
0x48: {  	_ =	swait.ge [sflag:s12], $0x2800  }
0x49: {  	[sflag:s12] =	ssyncset.done $0x0  }
0x4a: {  	[sflag:s12] =	ssyncadd.s32 $0xFFFFD800  }
0x4b: {  	_ =	sfence.sel $0x180000  }
0x4c: {  	[bflag:$0x0] =	sbarrier.arrive $0xFFFF  }
0x4d: {  	p0 =	sne.s32 s1, $0x0;
	_ =	strace $0x9000004D  }
0x4e: {  	s0 =	sadd.s32 @!p0 $0x100000, s0;
	[bflag:$0x2] =	sbarrier.arrive $0xFFFF  }
0x4f: {  	[sflag:s0] =	ssyncadd.tile.s32 @!p0 $0x1;
	_ =	shalt  }
.Lfunc_end2:
_tile_overlayer_lowered:
.L_overlay_start_2:
0x50: {  	(tag) =	ssettag $0x2  }
0x51: {  	s0 =	rddreg [dreg:$0x0];
	s2 =	stileid.u32  }
0x52: {  	s1 =	rddreg [dreg:$0x1];
	p0 =	sne.s32 s2, $0x0  }
0x53: {  	s3 =	rddreg [dreg:$0x2];
	[bflag:$0x3] =	sbarrier.arrive $0xFFFF;
	s2 =	simm.s32 @!p0 $0x1C02  }
0x54: {  	[timem:s3], [sflag:s2] =	dma.local @!p0 [hbm:s0], s1  }
0x55: {  	s0 =	simm.s32 @!p0 $0x2  }
0x56: {  	_ =	swait.ge @!p0 [sflag:s0], s1  }
0x57: {  	s1 =	ssub.s32 @!p0 $0x0, s1;
	[sflag:s0] =	ssyncset.done @!p0 $0x0  }
0x58: {  	[sflag:s0] =	ssyncadd.s32 @!p0 s1  }
0x59: {  	[bflag:$0x3] =	sbarrier.arrive $0xFFFF  }
0x5a: {  	_ =	shalt  }

// kernel: kernel.8.cloned.1.call-start
scs
__scs_entry_jumppad:
0x0: {  	(pc) =	sbr.rel $0x88, $3  }
0x1: {  	(tag) =	ssettag $0x0;
	lr =	simm.s32 $0x1  }
0x2: {  	[smem:$0x3F9B] =	sst lr;
	_ =	strace $0xD0000000  }
0x3: {  	_ = 	snop  }
0x4: {  	_ = 	snop  }
0x5: {  	_ = 	snop  }
0x6: {  	_ = 	snop  }
0x7: {  	_ = 	snop  }
__scs_overlays_trampoline_lowered:
0x8: {  	[smem:$0x3FAA] =	sst s0  }
0x9: {  	[smem:$0x3FAB] =	sst s1  }
0xa: {  	[smem:$0x3FAC] =	sst s2  }
0xb: {  	[smem:$0x3FAD] =	sst s3  }
0xc: {  	[smem:$0x3FAE] =	sst s4  }
0xd: {  	[smem:$0x3FAF] =	sst s5  }
0xe: {  	[smem:$0x3FB0] =	sst s6  }
0xf: {  	[smem:$0x3FB1] =	sst s7  }
0x10: {  	[smem:$0x3FB2] =	sst s8  }
0x11: {  	[smem:$0x3FB3] =	sst s9;
	s0 =	simm.s32 @!p0 $0x0  }
0x12: {  	s1 =	sld [smem:$0x3F99];
	s0 =	simm.s32 @p0 $0x1  }
0x13: {  	[smem:$0x3FB4] =	sst s0;
	s0 =	simm.s32 @!p1 $0x0  }
0x14: {  	s2 =	sld [smem:$0x3F98];
	s0 =	simm.s32 @p1 $0x1  }
0x15: {  	[smem:$0x3FB5] =	sst s0;
	s0 =	simm.s32 @!p2 $0x0  }
0x16: {  	s3 =	sld [smem:$0x3FDB];
	s0 =	simm.s32 @p2 $0x1  }
0x17: {  	s4 =	simm.s32 $0x1BF5;
	[smem:$0x3FB7] =	sst s0  }
0x18: {  	s0 =	sld [smem:$0x3F9A];
	_ =	swait.ge [sflag:s4], $0x0  }
0x19: {  	s7 =	sld [smem:$0x3F9B]  }
0x1a: {  	s8 =	sadd.s32 $0xFFFFE003, lr  }
0x1b: {  	s9 =	sadd.s32 $0xFFFFFEF7, lr;
	s5 =	simm.s32 $0xFFFFFFFF;
	p2 =	slt.u32 s8, $0xFFFFF086  }
0x1c: {  	p1 =	slt.u32 s9, $0xF7A;
	s5 =	simm.s32 @!p2 $0x0  }
0x1d: {  	s5 =	simm.s32 @p1 $0x1;
	p0 =	seq.s32 s7, s2  }
0x1e: {  	s7 =	smul.u32 @!p0 $0xF7A, s2;
	p2 =	seq.s32 @!p0 s5, $0x0  }
0x1f: {  	s9 =	smul.u32 $0xF7A, s1;
	s8 =	simm.s32 @!p0 $0x1BF5;
	p2 =	por !p2, p0  }
0x20: {  	[sflag:s8] =	ssyncset.s32 @!p0 $0xFFFFF086;
	s6 =	sadd.s32 @!p0 s3, s7;
	s7 =	simm.s32 @!p0 $0x108  }
0x21: {  	s3 =	sadd.s32 s3, s9;
	s6 =	sadd.s32 @!p0 $0x88, s6;
	s7 =	simm.s32 @p2 $0x1082  }
0x22: {  	[simem:s7], [sflag:s8] =	dma.local @!p0 [hbm:s6], $0xF7A  }
0x23: {  	s9 =	sor.u32 $0xD0000000, s2;
	s6 =	simm.s32 $0x108;
	_ =	swait.ge @!p0 [sflag:s8], $0x0  }
0x24: {  	s3 =	sadd.s32 $0x88, s3;
	s6 =	simm.s32 @!p1 $0x1082;
	[sflag:s4] =	ssyncset.s32 $0xFFFFF086  }
0x25: {  	[simem:s6], [sflag:s4] =	dma.local [hbm:s3], $0xF7A  }
0x26: {  	[smem:$0x3F9B] =	sst s1;
	(tag) =	ssettag s2;
	_ =	strace s9  }
0x27: {  	s1 =	sld [smem:$0x3FAB]  }
0x28: {  	s2 =	sld [smem:$0x3FAC]  }
0x29: {  	s4 =	sld [smem:$0x3FAE]  }
0x2a: {  	p0 =	seq.s32 s5, $0x0;
	s5 =	sld [smem:$0x3FAF]  }
0x2b: {  	s6 =	sld [smem:$0x3FB0]  }
0x2c: {  	s7 =	sld [smem:$0x3FB1]  }
0x2d: {  	s3 =	simm.s32 $0x108;
	s8 =	sld [smem:$0x3FB2]  }
0x2e: {  	s3 =	simm.s32 @!p0 $0x1082;
	s9 =	sld [smem:$0x3FB3]  }
0x2f: {  	lr =	sadd.s32 s0, s3;
	s0 =	sld [smem:$0x3FAA]  }
0x30: {  	s3 =	sld [smem:$0x3FAD]  }
0x31: {  	[smem:$0x3FB6] =	sst s10  }
0x32: {  	s10 =	sld [smem:$0x3FB4];
	_ =	sdelay $0x3  }
0x33: {  	p0 =	seq.s32 s10, $0x1;
	s10 =	sld [smem:$0x3FB6];
	_ =	sdelay $0x3  }
0x34: {  	[smem:$0x3FB6] =	sst s10  }
0x35: {  	s10 =	sld [smem:$0x3FB5];
	_ =	sdelay $0x3  }
0x36: {  	p1 =	seq.s32 s10, $0x1;
	s10 =	sld [smem:$0x3FB6];
	_ =	sdelay $0x3  }
0x37: {  	[smem:$0x3FB6] =	sst s10  }
0x38: {  	s10 =	sld [smem:$0x3FB7]  }
0x39: {  	_ = 	snop;
	(pc) =	sbr.ind lr, $3  }
0x3a: {  	_ = 	snop  }
0x3b: {  	_ = 	snop  }
0x3c: {  	p2 =	seq.s32 s10, $0x1;
	s10 =	sld [smem:$0x3FB6]  }
0x3d: {  	_ =	shalt  }
0x3e: {  	_ =	shalt  }
0x3f: {  	_ =	shalt  }
0x40: {  	_ =	shalt  }
0x41: {  	_ =	shalt  }
0x42: {  	_ =	shalt  }
0x43: {  	_ =	shalt  }
0x44: {  	_ =	shalt  }
0x45: {  	_ =	shalt  }
0x46: {  	_ =	shalt  }
0x47: {  	_ =	shalt  }
0x48: {  	_ =	shalt  }
0x49: {  	_ =	shalt  }
0x4a: {  	_ =	shalt  }
0x4b: {  	_ =	shalt  }
0x4c: {  	_ =	shalt  }
0x4d: {  	_ =	shalt  }
0x4e: {  	_ =	shalt  }
0x4f: {  	_ =	shalt  }
0x50: {  	_ =	shalt  }
0x51: {  	_ =	shalt  }
0x52: {  	_ =	shalt  }
0x53: {  	_ =	shalt  }
0x54: {  	_ =	shalt  }
0x55: {  	_ =	shalt  }
0x56: {  	_ =	shalt  }
0x57: {  	_ =	shalt  }
0x58: {  	_ =	shalt  }
0x59: {  	_ =	shalt  }
0x5a: {  	_ =	shalt  }
0x5b: {  	_ =	shalt  }
0x5c: {  	_ =	shalt  }
0x5d: {  	_ =	shalt  }
0x5e: {  	_ =	shalt  }
0x5f: {  	_ =	shalt  }
0x60: {  	_ =	shalt  }
0x61: {  	_ =	shalt  }
0x62: {  	_ =	shalt  }
0x63: {  	_ =	shalt  }
0x64: {  	_ =	shalt  }
0x65: {  	_ =	shalt  }
0x66: {  	_ =	shalt  }
0x67: {  	_ =	shalt  }
0x68: {  	_ =	shalt  }
0x69: {  	_ =	shalt  }
0x6a: {  	_ =	shalt  }
0x6b: {  	_ =	shalt  }
0x6c: {  	_ =	shalt  }
0x6d: {  	_ =	shalt  }
0x6e: {  	_ =	shalt  }
0x6f: {  	_ =	shalt  }
0x70: {  	_ =	shalt  }
0x71: {  	_ =	shalt  }
0x72: {  	_ =	shalt  }
0x73: {  	_ =	shalt  }
0x74: {  	_ =	shalt  }
0x75: {  	_ =	shalt  }
0x76: {  	_ =	shalt  }
0x77: {  	_ =	shalt  }
0x78: {  	_ =	shalt  }
0x79: {  	_ =	shalt  }
0x7a: {  	_ =	shalt  }
0x7b: {  	_ =	shalt  }
0x7c: {  	_ =	shalt  }
0x7d: {  	_ =	shalt  }
0x7e: {  	_ =	shalt  }
0x7f: {  	_ =	shalt  }
0x80: {  	_ =	shalt  }
0x81: {  	_ =	shalt  }
0x82: {  	_ =	shalt  }
0x83: {  	_ =	shalt  }
0x84: {  	_ =	shalt  }
0x85: {  	_ =	shalt  }
0x86: {  	_ =	shalt  }
0x87: {  	_ =	shalt  }
.Lfunc_end0:
.L_simem_size_0:
called_computation_lowered:
.L_overlay_start_0:
0x88: {  	s2 =	sld [smem:$0x3FD9]  }
0x89: {  	s3 =	sld [smem:$0x3FFE];
	_ =	sdelay $0x1  }
0x8a: {  	s1 =	srdreg.scid  }
0x8b: {  	s0 =	sand.u32 $0x1, s1  }
0x8c: {  	s16 =	sshll.u32 s0, $0xA;
	s2 =	sadd.s32 s3, s2  }
0x8d: {  	s2 =	sadd.s32 s2, s16  }
0x8e: {  	[smem:$0x3FC2] =	sst s2  }
0x8f: {  	_ = 	snop  }
0x90: {  	(tm) =	ssettm $0x1  }
0x91: {  	s17 =	sld [smem:$0x3FFB];
	_ =	sdelay $0x3  }
0x92: {  	_ =	strace s17  }
0x93: {  	s2 =	sld [smem:$0x3FFC];
	_ =	sdelay $0x3  }
0x94: {  	_ =	strace s2  }
0x95: {  	s2 =	sld [smem:$0x3FFD];
	_ =	sdelay $0x3  }
0x96: {  	_ =	strace s2  }
0x97: {  	_ =	strace $0x8FFFFFFF  }
0x98: {  	s18 =	sld [smem:$0x3FDB];
	_ =	sdelay $0x1  }
0x99: {  	s19 =	simm.s32 $_scs_section_size  }
0x9a: {  	s4 =	simm.s32 $_size__tile_overlayer_lowered;
	s5 =	simm.s32 $_tile_overlayer_lowered  }
0x9b: {  	s22 =	simm.s32 $0x1BFF;
	s21 =	sshll.u32 s5, $0x1;
	s2 =	sadd.s32 s19, s18  }
0x9c: {  	s6 =	simm.s32 $0x0;
	s20 =	sshll.u32 s4, $0x1;
	s4 =	sadd.s32 s21, s2  }
0x9d: {  	[timem:s6], [sflag:s22] =	dma.local [hbm:s4], s20  }
0x9e: {  	_ =	swait.ge [sflag:s22], s20  }
0x9f: {  	s3 =	ssub.s32 $0x0, s20;
	[sflag:s22] =	ssyncset.done $0x0  }
0xa0: {  	[sflag:s22] =	ssyncadd.s32 s3;
	_ =	sdelay $0x1  }
0xa1: {  	s23 =	simm.s32 $0x1B8B  }
0xa2: {  	_ =	swait.ge [sflag:s23], $0x1  }
0xa3: {  	[sflag:s23] =	ssyncset.done $0x0  }
0xa4: {  	s25 =	simm.s32 $0x1B8E;
	s24 =	sld [smem:$0x3FFE];
	[sflag:s23] =	ssyncadd.s32 $0xFFFFFFFF  }
0xa5: {  	s26 =	simm.s32 $execute0_lowered;
	[smem:$0x3FD2] =	sst s25  }
0xa6: {  	s4 =	sshll.u32 s26, $0x1;
	_ =	strace $0x80000046;
	[dreg:$0x1] =	wrdreg $0xFFFFFFFF  }
0xa7: {  	s28 =	simm.s32 $_size_execute0_lowered;
	s2 =	sadd.s32 s2, s4;
	[dreg:$0x0] =	wrdreg $0x0  }
0xa8: {  	s4 =	sshll.u32 s28, $0x1;
	[dreg:$0x2] =	wrdreg s2  }
0xa9: {  	[dreg:$0x3] =	wrdreg s4  }
0xaa: {  	[dreg:$0x4] =	wrdreg $0xC0  }
0xab: {  	_ =	task [dreg:s6], $0x5FFFF  }
0xac: {  	[dreg:$0x1] =	wrdreg $0xFFFFFFFF  }
0xad: {  	[dreg:$0x0] =	wrdreg $0x60  }
0xae: {  	[dreg:$0x2] =	wrdreg s24  }
0xaf: {  	[dreg:$0x3] =	wrdreg $0x1000  }
0xb0: {  	[dreg:$0x4] =	wrdreg $0x9  }
0xb1: {  	_ =	task.clear_ibuf [dreg:s6], $0x5FFFF;
	_ =	strace $0x90000046  }
0xb2: {  	s29 =	simm.s32 $0x9;
	_ =	strace $0x80000048  }
0xb3: {  	_ =	swait.ge [sflag:s29], $0x1  }
0xb4: {  	[sflag:s29] =	ssyncadd.s32 $0xFFFFFFFF  }
0xb5: {  	_ =	strace $0x90000048  }
0xb6: {  	_ =	sfence  }
0xb7: {  	s30 =	sld [smem:$0x0];
	_ =	sdelay $0x2  }
0xb8: {  	s31 =	sshll.u32 s1, $0xD;
	s1 =	sshrl.u32 s1, $0x2  }
0xb9: {  	s3 =	sand.u32 $0x4000, s31;
	s1 =	sadd.s32 s1, s30  }
0xba: {  	s0 =	sor.u32 s3, s0;
	s1 =	sshll.u32 s1, $0x11  }
0xbb: {  	s0 =	sor.u32 s1, s0  }
0xbc: {  	s0 =	sadd.s32 $0x8F2B, s0  }
0xbd: {  	[sflag:s0] =	ssyncadd.remote.s32 $0x1  }
0xbe: {  	_ =	sfence.sel $0xFFFF  }
0xbf: {  	[dreg:$0x0] =	wrdreg $0xFFFFFFFF;
	(pc) =	sbr.abs _section_cstart, $3  }
0xc0: {  	[dreg:$0x1] =	wrdreg $0xFFFFFFFF  }
0xc1: {  	_ =	task.clear_ibuf [dreg:s6], $0x2FFFF;
	_ =	strace $0x9FFFFFFF  }
0xc2: {  	(tm) =	ssettm $0x7FFFFFFF  }
0xc3: {  	_ =	shalt  }
tec
execute0_lowered:
.L_overlay_start_1:
0x0: {  	(tag) =	ssettag $0x1  }
0x1: {  	s5 =	rddreg [dreg:$0x0]  }
0x2: {  	s2 =	rddreg [dreg:$0x1]  }
0x3: {  	s0 =	rddreg [dreg:$0x2];
	s3 =	simm.s32 $0x0;
	s1 =	stileid.u32  }
0x4: {  	s7 =	srdreg.scid;
	s10 =	simm.s32 $0x1;
	s4 =	smul.u32 $0x9E0, s1  }
0x5: {  	s13 =	simm.s32 $0x0;
	[smem:$0x7FF] =	sst s3;
	s6 =	smul.u32 $0x280, s1  }
0x6: {  	s7 =	sand.u32 $0x1, s7;
	s11 =	sshll.u32 s1, $0x6;
	_ =	strace $0x80000047  }
0x7: {  	s7 =	ssub.s32 $0x2, s7;
	s11 =	sor.u32 $0x1C01, s11;
	s8 =	sadd.s32 s4, s5  }
0x8: {  	s9 =	sshrl.u32 s6, $0x3;
	s4 =	sadd.s32 $0xBA00, s5;
	s31 =	sshrl.u32 s7, $0x1  }
0x9: {  	s12 =	sadd.s32 s6, s2;
	s9 =	sadd.s32 s9, s5;
	s7 =	ssub.s32 s7, s31  }
0xa: {  	s8 =	sadd.s32 $0x1C00, s8;
	s12 =	sshrl.u32 s12, $0x3;
	s5 =	sadd.s32 $0xBC00, s9  }
0xb: {  	s6 =	sadd.s32 $0xC200, s9;
	s7 =	smax.u32 s7, $0x1;
	s9 =	simm.s32 $0x80  }
.LBB2_1:
0xc: {  	[tilespmem:s9], [sflag:$0x1] =	stream.linear.gather [hbm4b:s4+s3], $0x80, $0x38;
	[tilespmem:$0x380] =	vst v63  }
0xd: {  	_ =	swait.ge [sflag:s10], $0x80  }
0xe: {  	[sflag:s10] =	ssyncset.done $0x0  }
0xf: {  	[sflag:s10] =	ssyncadd.s32 $0xFFFFFF80  }
0x10: {  	[spmem:s12], [sflag:s11] =	dma.local [hbm:s5], $0x50  }
0x11: {  	_ =	swait.ge [sflag:s10], $0x50  }
0x12: {  	[sflag:s10] =	ssyncset.done $0x0  }
0x13: {  	[sflag:s10] =	ssyncadd.s32 $0xFFFFFFB0  }
0x14: {  	s14 =	sadd.s32 $0x0, s8;
	[bflag:$0x0] =	sbarrier.arrive $0xFFFF  }
0x15: {  	[tilespmem:s3], [sflag:$0x1] =	stream.linear.gather [hbm4b:s14+s3], $0x80, $0x38;
	[tilespmem:$0x380] =	vst v63  }
0x16: {  	_ =	swait.ge [sflag:s10], $0x80  }
0x17: {  	[sflag:s10] =	ssyncset.done $0x0  }
0x18: {  	[sflag:s10] =	ssyncadd.s32 $0xFFFFFF80  }
0x19: {  	[spmem:s2] =	stream.indirect.scatter.add.f32 [tilespmem:s9], [sflag:$0x1], $0x1, s3, s9, $0xb8;
	[tilespmem:$0x380] =	vst v63  }
0x1a: {  	_ =	swait.ge [sflag:s10], $0x80  }
0x1b: {  	s15 =	simm.s32 $0x20;
	s14 =	simm.s32 $0x10;
	[sflag:s10] =	ssyncset.done $0x0  }
.LBB2_2:
0x1c: {  	s16 =	sadd.s32 s14, s8  }
0x1d: {  	[sflag:s10] =	ssyncadd.s32 $0xFFFFFF80;
	s14 =	smov.u32 s15;
	s17 =	sadd.s32 $0x10, s15  }
0x1e: {  	[tilespmem:s3], [sflag:$0x1] =	stream.linear.gather [hbm4b:s16+s3], $0x80, $0x38;
	[tilespmem:$0x380] =	vst v63  }
0x1f: {  	p0 =	sne.s32 s15, $0x9D0;
	_ =	swait.ge [sflag:s10], $0x80  }
.Ltmp0:
0x20: {  	[sflag:s10] =	ssyncset.done $0x0;
	(pc) =	sbr.rel @p0 .LBB2_2-.Ltmp0, $4  }
0x21: {  	[sflag:s10] =	ssyncadd.s32 $0xFFFFFF80  }
0x22: {  	[spmem:s2] =	stream.indirect.scatter.add.f32 [tilespmem:s9], [sflag:$0x1], $0x1, s3, s9, $0xb8;
	[tilespmem:$0x380] =	vst v63  }
0x23: {  	_ =	swait.ge [sflag:s10], $0x80  }
0x24: {  	s15 =	smov.u32 s17;
	[sflag:s10] =	ssyncset.done $0x0  }
0x25: {  	s14 =	sadd.s32 s14, s8;
	[sflag:s10] =	ssyncadd.s32 $0xFFFFFF80  }
0x26: {  	[tilespmem:s3], [sflag:$0x1] =	stream.linear.gather [hbm4b:s14+s3], $0x80, $0x38;
	[tilespmem:$0x380] =	vst v63  }
0x27: {  	_ =	swait.ge [sflag:s10], $0x80  }
0x28: {  	[sflag:s10] =	ssyncset.done $0x0  }
0x29: {  	[sflag:s10] =	ssyncadd.s32 $0xFFFFFF80  }
0x2a: {  	[spmem:s2] =	stream.indirect.scatter.add.f32 [tilespmem:s9], [sflag:$0x1], $0x1, s3, s9, $0xb8;
	[tilespmem:$0x380] =	vst v63  }
0x2b: {  	_ =	swait.ge [sflag:s10], $0x80  }
0x2c: {  	s13 =	sadd.s32 $0x1, s13;
	[sflag:s10] =	ssyncset.done $0x0  }
0x2d: {  	p0 =	sne.s32 s13, s7;
	[sflag:s10] =	ssyncadd.s32 $0xFFFFFF80  }
.Ltmp1:
0x2e: {  	[bflag:$0x0] =	sbarrier.arrive $0xFFFF;
	(pc) =	sbr.rel @p0 .LBB2_1-.Ltmp1, $4  }
0x2f: {  	[hbm:s6], [sflag:s11] =	dma.local [spmem:s12], $0x50  }
0x30: {  	_ =	swait.ge [sflag:s10], $0x50  }
0x31: {  	[sflag:s10] =	ssyncset.done $0x0  }
0x32: {  	[sflag:s10] =	ssyncadd.s32 $0xFFFFFFB0  }
0x33: {  	_ =	sfence.sel $0x180000  }
0x34: {  	[bflag:$0x0] =	sbarrier.arrive $0xFFFF  }
0x35: {  	p0 =	sne.s32 s1, $0x0;
	_ =	strace $0x90000047  }
0x36: {  	s0 =	sadd.s32 @!p0 $0x100000, s0;
	[bflag:$0x2] =	sbarrier.arrive $0xFFFF  }
0x37: {  	[sflag:s0] =	ssyncadd.tile.s32 @!p0 $0x1;
	_ =	shalt  }
.Lfunc_end2:
_tile_overlayer_lowered:
.L_overlay_start_2:
0x38: {  	(tag) =	ssettag $0x2  }
0x39: {  	s0 =	rddreg [dreg:$0x0];
	s2 =	stileid.u32  }
0x3a: {  	s1 =	rddreg [dreg:$0x1];
	p0 =	sne.s32 s2, $0x0  }
0x3b: {  	s3 =	rddreg [dreg:$0x2];
	[bflag:$0x3] =	sbarrier.arrive $0xFFFF;
	s2 =	simm.s32 @!p0 $0x1C01  }
0x3c: {  	[timem:s3], [sflag:s2] =	dma.local @!p0 [hbm:s0], s1  }
0x3d: {  	s0 =	simm.s32 @!p0 $0x1  }
0x3e: {  	_ =	swait.ge @!p0 [sflag:s0], s1  }
0x3f: {  	s1 =	ssub.s32 @!p0 $0x0, s1;
	[sflag:s0] =	ssyncset.done @!p0 $0x0  }
0x40: {  	[sflag:s0] =	ssyncadd.s32 @!p0 s1  }
0x41: {  	[bflag:$0x3] =	sbarrier.arrive $0xFFFF  }
0x42: {  	_ =	shalt  }

</sc_bundles>
